<compile_context>
chip_gen: v7x
topology: tpu7x:2x2x1
jax: 0.10.2.dev20260603
libtpu: 0.0.44.dev20260713+nightly
codegen_flags: <defaults>
</compile_context>

<pallas_src>
import functools

import jax
import jax.numpy as jnp
from jax import lax
from jax.experimental import pallas as pl
from jax.experimental.pallas import tpu as pltpu
from jax.experimental.pallas import tpu_sc as plsc

NUM_NODES = 1000000
EMBED_DIM = 64
BATCH = 16384
N_FIELDS = 26
_FPAD = 32
_IDS_PAD = 128
_PADW = 128

_NW = 32
_RPW = BATCH // _NW
_IPW = _RPW * _FPAD
_CLEN = 128
_NCH = _IPW // _CLEN
_NBUF = 4
_NGRP = _NCH // _NBUF


def _make_kernel():
    mesh = plsc.VectorSubcoreMesh(core_axis_name="c", subcore_axis_name="s")

    @functools.partial(
        pl.kernel,
        mesh=mesh,
        compiler_params=pltpu.CompilerParams(use_tc_tiling_on_sc=False),
        out_type=jax.ShapeDtypeStruct((BATCH * _FPAD, _PADW), jnp.float32),
        scratch_types=[
            pltpu.VMEM((_IPW,), jnp.int32),
            pltpu.VMEM((_NBUF, _CLEN, _PADW), jnp.float32),
            pltpu.SemaphoreType.DMA,
            pltpu.SemaphoreType.DMA,
            pltpu.SemaphoreType.DMA,
            pltpu.SemaphoreType.DMA,
            pltpu.SemaphoreType.DMA,
            pltpu.SemaphoreType.DMA,
            pltpu.SemaphoreType.DMA,
            pltpu.SemaphoreType.DMA,
        ],
    )
    def gather_kernel(ids_hbm, table_hbm, out_hbm, idx_v, rows_v,
                      sg0, sg1, sg2, sg3, so0, so1, so2, so3):
        sem_g = [sg0, sg1, sg2, sg3]
        sem_o = [so0, so1, so2, so3]
        wid = lax.axis_index("s") * 2 + lax.axis_index("c")
        base = wid * _RPW
        obase = wid * _IPW

        def load_row(r, carry):
            pltpu.async_copy(
                ids_hbm.at[base + r, pl.ds(0, _FPAD)],
                idx_v.at[pl.ds(r * _FPAD, _FPAD)], sg0)
            return carry

        lax.fori_loop(0, _RPW, load_row, 0)

        def drain_row(r, carry):
            pltpu.make_async_copy(
                ids_hbm.at[base, pl.ds(0, _FPAD)],
                idx_v.at[pl.ds(r * _FPAD, _FPAD)], sg0).wait()
            return carry

        lax.fori_loop(0, _RPW, drain_row, 0)

        def start_gather(c, b):
            pltpu.async_copy(
                table_hbm.at[idx_v.at[pl.ds(c * _CLEN, _CLEN)]],
                rows_v.at[b], sem_g[b])

        def wait_gather(b):
            pltpu.make_async_copy(
                table_hbm.at[idx_v.at[pl.ds(0, _CLEN)]],
                rows_v.at[b], sem_g[b]).wait()

        def start_out(c, b):
            pltpu.async_copy(
                rows_v.at[b],
                out_hbm.at[pl.ds(obase + c * _CLEN, _CLEN)], sem_o[b])

        def wait_out(c, b):
            pltpu.make_async_copy(
                rows_v.at[b],
                out_hbm.at[pl.ds(obase + c * _CLEN, _CLEN)], sem_o[b]).wait()

        for b in range(_NBUF):
            start_gather(b, b)

        def body(k, carry):
            for b in range(_NBUF):
                c = _NBUF * k + b
                wait_gather(b)
                start_out(c, b)

                @pl.when(k < _NGRP - 1)
                def _():
                    wait_out(c, b)
                    start_gather(c + _NBUF, b)

            return carry

        lax.fori_loop(0, _NGRP, body, 0)

        for b in range(_NBUF):
            wait_out(_NCH - _NBUF + b, b)

    return gather_kernel


_gather = _make_kernel()


def kernel(ids, weight):
    ids32 = ids.astype(jnp.int32)
    dummy = (
        lax.broadcasted_iota(jnp.int32, (BATCH, _FPAD - N_FIELDS), 0) * 7
        + lax.broadcasted_iota(jnp.int32, (BATCH, _FPAD - N_FIELDS), 1)
    ) % NUM_NODES
    ids_p = jnp.pad(
        jnp.concatenate([ids32, dummy], axis=1),
        ((0, 0), (0, _IDS_PAD - _FPAD)))
    weight_p = jnp.pad(weight, ((0, 0), (0, _PADW - EMBED_DIM)))
    out = _gather(ids_p, weight_p)
    return out.reshape(BATCH, _FPAD, _PADW)[:, :N_FIELDS, :EMBED_DIM]

# --- scband reference (transcript-rebuilt; emitter-appended) ---
"""Pipeline reference for scband-net-90744069030448 (READ-ONLY COPY).

The authoritative reference and input builder live on the scoring server;
editing this copy changes nothing except your own understanding.
"""

import jax, jax.numpy as jnp
import numpy as np

NUM_NODES = 1000000
EMBED_DIM = 64
BATCH = 16384
N_FIELDS = 26


def setup_inputs(seed: int = 0) -> dict:
    key = jax.random.key(seed)
    k_ids, k_w = jax.random.split(key)
    ids = jax.random.randint(k_ids, (BATCH, N_FIELDS), 0, NUM_NODES, dtype=jnp.int64 if jax.config.jax_enable_x64 else jnp.int32)
    # embedding table (orthogonal init approximated by scaled normal; math of forward unchanged)
    weight = jax.random.normal(k_w, (NUM_NODES, EMBED_DIM), dtype=jnp.float32) * (1.0 / np.sqrt(EMBED_DIM))
    return {"ids": ids, "weight": weight}


def reference(ids, weight):
    # nn.Embedding forward: gather rows of the table by ids
    embedded_x = jnp.take(weight, ids, axis=0)
    return embedded_x

if __name__ == "__main__":
    import jax
    _d = setup_inputs()
    print(jax.jit(kernel)(*tuple(_d.values())))

</pallas_src>

<mosaic_0001>
#map = affine_map<(d0, d1) -> (0, 0)>
module attributes {stable_mosaic.version = 14 : i64} {
  func.func @gather_kernel(%arg0: i32, %arg1: i32, %arg2: memref<16384x128xi32, #tpu.memory_space<hbm>>, %arg3: memref<1000000x128xf32, #tpu.memory_space<hbm>>, %arg4: memref<524288x128xf32, #tpu.memory_space<hbm>>, %arg5: memref<16384xi32, #tpu.memory_space<vmem>>, %arg6: memref<4x128x128xf32, #tpu.memory_space<vmem>>, %arg7: memref<!tpu.dma_semaphore, #tpu.memory_space<semaphore_mem>>, %arg8: memref<!tpu.dma_semaphore, #tpu.memory_space<semaphore_mem>>, %arg9: memref<!tpu.dma_semaphore, #tpu.memory_space<semaphore_mem>>, %arg10: memref<!tpu.dma_semaphore, #tpu.memory_space<semaphore_mem>>, %arg11: memref<!tpu.dma_semaphore, #tpu.memory_space<semaphore_mem>>, %arg12: memref<!tpu.dma_semaphore, #tpu.memory_space<semaphore_mem>>, %arg13: memref<!tpu.dma_semaphore, #tpu.memory_space<semaphore_mem>>, %arg14: memref<!tpu.dma_semaphore, #tpu.memory_space<semaphore_mem>>) attributes {dimension_semantics = [#tpu.dimension_semantics<core_parallel>, #tpu.dimension_semantics<subcore_parallel>], iteration_bounds = array<i64: 2, 16>, scalar_prefetch = 0 : i64, scratch_operands = 10 : i64, tpu.core_type = #tpu.core_type<sc_vector_subcore>, window_params = [{transform_indices = #map}, {transform_indices = #map}, {transform_indices = #map}]} {
    %mul3A = arith.constant 2 : i32
    %mul3A_0 = arith.muli %arg1, %mul3A : i32
    %add3A = arith.addi %mul3A_0, %arg0 : i32
    %mul3A_1 = arith.constant 512 : i32
    %mul3A_2 = arith.muli %add3A, %mul3A_1 : i32
    %mul3A_3 = arith.constant 16384 : i32
    %mul3A_4 = arith.muli %add3A, %mul3A_3 : i32
    %scan3A = arith.constant 0 : i32
    %scan3A_5 = arith.constant 0 : i32
    %scan3A_6 = arith.constant 512 : i32
    %scan3A_7 = arith.addi %scan3A_5, %scan3A_6 : i32
    %scan3A_8 = arith.constant 1 : i32
    scf.for %scan3A_120 = %scan3A_5 to %scan3A_7 step %scan3A_8  : i32 {
      %add3A_121 = arith.addi %mul3A_2, %scan3A_120 : i32
      %mul3A_122 = arith.constant 32 : i32
      %mul3A_123 = arith.muli %scan3A_120, %mul3A_122 : i32
      %dma_start3A_124 = tpu.memref_slice %arg5[%mul3A_123] : memref<16384xi32, #tpu.memory_space<vmem>> -> memref<32xi32, #tpu.memory_space<vmem>>
      %dma_start3A_125 = arith.constant 0 : i32
      %dma_start3A_126 = tpu.memref_slice %arg2[%add3A_121, %dma_start3A_125] : memref<16384x128xi32, #tpu.memory_space<hbm>> -> memref<1x32xi32, #tpu.memory_space<hbm>>
      %dma_start3A_127 = tpu.memref_squeeze %dma_start3A_126 : memref<1x32xi32, #tpu.memory_space<hbm>> -> memref<32xi32, #tpu.memory_space<hbm>>
      %dma_start3A_128 = tpu.memref_slice %arg5[%mul3A_123] : memref<16384xi32, #tpu.memory_space<vmem>> -> memref<32xi32, #tpu.memory_space<vmem>>
      %dma_start3A_129 = arith.constant 0 : i32
      %dma_start3A_130 = tpu.memref_slice %arg2[%add3A_121, %dma_start3A_129] : memref<16384x128xi32, #tpu.memory_space<hbm>> -> memref<1x32xi32, #tpu.memory_space<hbm>>
      %dma_start3A_131 = tpu.memref_squeeze %dma_start3A_130 : memref<1x32xi32, #tpu.memory_space<hbm>> -> memref<32xi32, #tpu.memory_space<hbm>>
      tpu.enqueue_dma source(%dma_start3A_131 : memref<32xi32, #tpu.memory_space<hbm>>) target(%dma_start3A_128 : memref<32xi32, #tpu.memory_space<vmem>>) target_semaphore(%arg7 : memref<!tpu.dma_semaphore, #tpu.memory_space<semaphore_mem>>)
    }
    %scan3A_9 = arith.constant 512 : i32
    %scan3A_10 = arith.constant 0 : i32
    %scan3A_11 = arith.constant 0 : i32
    %scan3A_12 = arith.constant 512 : i32
    %scan3A_13 = arith.addi %scan3A_11, %scan3A_12 : i32
    %scan3A_14 = arith.constant 1 : i32
    scf.for %scan3A_120 = %scan3A_11 to %scan3A_13 step %scan3A_14  : i32 {
      %mul3A_121 = arith.constant 32 : i32
      %mul3A_122 = arith.muli %scan3A_120, %mul3A_121 : i32
      %dma_wait3A_123 = tpu.memref_slice %arg5[%mul3A_122] : memref<16384xi32, #tpu.memory_space<vmem>> -> memref<32xi32, #tpu.memory_space<vmem>>
      %dma_wait3A_124 = arith.constant 0 : i32
      %dma_wait3A_125 = tpu.memref_slice %arg2[%mul3A_2, %dma_wait3A_124] : memref<16384x128xi32, #tpu.memory_space<hbm>> -> memref<1x32xi32, #tpu.memory_space<hbm>>
      %dma_wait3A_126 = tpu.memref_squeeze %dma_wait3A_125 : memref<1x32xi32, #tpu.memory_space<hbm>> -> memref<32xi32, #tpu.memory_space<hbm>>
      %dma_wait3A_127 = tpu.memref_slice %arg5[%mul3A_122] : memref<16384xi32, #tpu.memory_space<vmem>> -> memref<32xi32, #tpu.memory_space<vmem>>
      %dma_wait3A_128 = arith.constant 0 : i32
      %dma_wait3A_129 = tpu.memref_slice %arg2[%mul3A_2, %dma_wait3A_128] : memref<16384x128xi32, #tpu.memory_space<hbm>> -> memref<1x32xi32, #tpu.memory_space<hbm>>
      %dma_wait3A_130 = tpu.memref_squeeze %dma_wait3A_129 : memref<1x32xi32, #tpu.memory_space<hbm>> -> memref<32xi32, #tpu.memory_space<hbm>>
      tpu.wait_dma2 semaphore(%arg7 : memref<!tpu.dma_semaphore, #tpu.memory_space<semaphore_mem>>) src(%dma_wait3A_130 : memref<32xi32, #tpu.memory_space<hbm>>) dst(%dma_wait3A_127 : memref<32xi32, #tpu.memory_space<vmem>>)
    }
    %scan3A_15 = arith.constant 512 : i32
    %dma_start3A = arith.constant 0 : i32
    %dma_start3A_16 = arith.constant 0 : i32
    %dma_start3A_17 = arith.constant 0 : i32
    %dma_start3A_18 = tpu.memref_slice %arg6[%dma_start3A, %dma_start3A_16, %dma_start3A_17] : memref<4x128x128xf32, #tpu.memory_space<vmem>> -> memref<1x128x128xf32, #tpu.memory_space<vmem>>
    %dma_start3A_19 = tpu.memref_squeeze %dma_start3A_18 : memref<1x128x128xf32, #tpu.memory_space<vmem>> -> memref<128x128xf32, #tpu.memory_space<vmem>>
    %dma_start3A_20 = arith.constant 0 : i32
    %dma_start3A_21 = tpu.memref_slice %arg5[%dma_start3A_20] : memref<16384xi32, #tpu.memory_space<vmem>> -> memref<128xi32, #tpu.memory_space<vmem>>
    %dma_start3A_22 = arith.constant 0 : i32
    %dma_start3A_23 = arith.constant 0 : i32
    %dma_start3A_24 = tpu.memref_slice %arg3[%dma_start3A_22, %dma_start3A_23] : memref<1000000x128xf32, #tpu.memory_space<hbm>> -> memref<1000000x128xf32, #tpu.memory_space<hbm>>
    tpu.enqueue_indirect_dma source(%dma_start3A_24 : memref<1000000x128xf32, #tpu.memory_space<hbm>>) target(%dma_start3A_19 : memref<128x128xf32, #tpu.memory_space<vmem>>) offsets(%dma_start3A_21 : memref<128xi32, #tpu.memory_space<vmem>>) semaphore(%arg7 : memref<!tpu.dma_semaphore, #tpu.memory_space<semaphore_mem>>)
    %dma_start3A_25 = arith.constant 1 : i32
    %dma_start3A_26 = arith.constant 0 : i32
    %dma_start3A_27 = arith.constant 0 : i32
    %dma_start3A_28 = tpu.memref_slice %arg6[%dma_start3A_25, %dma_start3A_26, %dma_start3A_27] : memref<4x128x128xf32, #tpu.memory_space<vmem>> -> memref<1x128x128xf32, #tpu.memory_space<vmem>>
    %dma_start3A_29 = tpu.memref_squeeze %dma_start3A_28 : memref<1x128x128xf32, #tpu.memory_space<vmem>> -> memref<128x128xf32, #tpu.memory_space<vmem>>
    %dma_start3A_30 = arith.constant 128 : i32
    %dma_start3A_31 = tpu.memref_slice %arg5[%dma_start3A_30] : memref<16384xi32, #tpu.memory_space<vmem>> -> memref<128xi32, #tpu.memory_space<vmem>>
    %dma_start3A_32 = arith.constant 0 : i32
    %dma_start3A_33 = arith.constant 0 : i32
    %dma_start3A_34 = tpu.memref_slice %arg3[%dma_start3A_32, %dma_start3A_33] : memref<1000000x128xf32, #tpu.memory_space<hbm>> -> memref<1000000x128xf32, #tpu.memory_space<hbm>>
    tpu.enqueue_indirect_dma source(%dma_start3A_34 : memref<1000000x128xf32, #tpu.memory_space<hbm>>) target(%dma_start3A_29 : memref<128x128xf32, #tpu.memory_space<vmem>>) offsets(%dma_start3A_31 : memref<128xi32, #tpu.memory_space<vmem>>) semaphore(%arg8 : memref<!tpu.dma_semaphore, #tpu.memory_space<semaphore_mem>>)
    %dma_start3A_35 = arith.constant 2 : i32
    %dma_start3A_36 = arith.constant 0 : i32
    %dma_start3A_37 = arith.constant 0 : i32
    %dma_start3A_38 = tpu.memref_slice %arg6[%dma_start3A_35, %dma_start3A_36, %dma_start3A_37] : memref<4x128x128xf32, #tpu.memory_space<vmem>> -> memref<1x128x128xf32, #tpu.memory_space<vmem>>
    %dma_start3A_39 = tpu.memref_squeeze %dma_start3A_38 : memref<1x128x128xf32, #tpu.memory_space<vmem>> -> memref<128x128xf32, #tpu.memory_space<vmem>>
    %dma_start3A_40 = arith.constant 256 : i32
    %dma_start3A_41 = tpu.memref_slice %arg5[%dma_start3A_40] : memref<16384xi32, #tpu.memory_space<vmem>> -> memref<128xi32, #tpu.memory_space<vmem>>
    %dma_start3A_42 = arith.constant 0 : i32
    %dma_start3A_43 = arith.constant 0 : i32
    %dma_start3A_44 = tpu.memref_slice %arg3[%dma_start3A_42, %dma_start3A_43] : memref<1000000x128xf32, #tpu.memory_space<hbm>> -> memref<1000000x128xf32, #tpu.memory_space<hbm>>
    tpu.enqueue_indirect_dma source(%dma_start3A_44 : memref<1000000x128xf32, #tpu.memory_space<hbm>>) target(%dma_start3A_39 : memref<128x128xf32, #tpu.memory_space<vmem>>) offsets(%dma_start3A_41 : memref<128xi32, #tpu.memory_space<vmem>>) semaphore(%arg9 : memref<!tpu.dma_semaphore, #tpu.memory_space<semaphore_mem>>)
    %dma_start3A_45 = arith.constant 3 : i32
    %dma_start3A_46 = arith.constant 0 : i32
    %dma_start3A_47 = arith.constant 0 : i32
    %dma_start3A_48 = tpu.memref_slice %arg6[%dma_start3A_45, %dma_start3A_46, %dma_start3A_47] : memref<4x128x128xf32, #tpu.memory_space<vmem>> -> memref<1x128x128xf32, #tpu.memory_space<vmem>>
    %dma_start3A_49 = tpu.memref_squeeze %dma_start3A_48 : memref<1x128x128xf32, #tpu.memory_space<vmem>> -> memref<128x128xf32, #tpu.memory_space<vmem>>
    %dma_start3A_50 = arith.constant 384 : i32
    %dma_start3A_51 = tpu.memref_slice %arg5[%dma_start3A_50] : memref<16384xi32, #tpu.memory_space<vmem>> -> memref<128xi32, #tpu.memory_space<vmem>>
    %dma_start3A_52 = arith.constant 0 : i32
    %dma_start3A_53 = arith.constant 0 : i32
    %dma_start3A_54 = tpu.memref_slice %arg3[%dma_start3A_52, %dma_start3A_53] : memref<1000000x128xf32, #tpu.memory_space<hbm>> -> memref<1000000x128xf32, #tpu.memory_space<hbm>>
    tpu.enqueue_indirect_dma source(%dma_start3A_54 : memref<1000000x128xf32, #tpu.memory_space<hbm>>) target(%dma_start3A_49 : memref<128x128xf32, #tpu.memory_space<vmem>>) offsets(%dma_start3A_51 : memref<128xi32, #tpu.memory_space<vmem>>) semaphore(%arg10 : memref<!tpu.dma_semaphore, #tpu.memory_space<semaphore_mem>>)
    %scan3A_55 = arith.constant 0 : i32
    %scan3A_56 = arith.constant 0 : i32
    %scan3A_57 = arith.constant 32 : i32
    %scan3A_58 = arith.addi %scan3A_56, %scan3A_57 : i32
    %scan3A_59 = arith.constant 1 : i32
    scf.for %scan3A_120 = %scan3A_56 to %scan3A_58 step %scan3A_59  : i32 {
      %mul3A_121 = arith.constant 4 : i32
      %mul3A_122 = arith.muli %mul3A_121, %scan3A_120 : i32
      %add3A_123 = arith.constant 0 : i32
      %add3A_124 = arith.addi %mul3A_122, %add3A_123 : i32
      %dma_wait3A_125 = arith.constant 0 : i32
      %dma_wait3A_126 = arith.constant 0 : i32
      %dma_wait3A_127 = arith.constant 0 : i32
      %dma_wait3A_128 = tpu.memref_slice %arg6[%dma_wait3A_125, %dma_wait3A_126, %dma_wait3A_127] : memref<4x128x128xf32, #tpu.memory_space<vmem>> -> memref<1x128x128xf32, #tpu.memory_space<vmem>>
      %dma_wait3A_129 = tpu.memref_squeeze %dma_wait3A_128 : memref<1x128x128xf32, #tpu.memory_space<vmem>> -> memref<128x128xf32, #tpu.memory_space<vmem>>
      %dma_wait3A_130 = arith.constant 0 : i32
      %dma_wait3A_131 = tpu.memref_slice %arg5[%dma_wait3A_130] : memref<16384xi32, #tpu.memory_space<vmem>> -> memref<128xi32, #tpu.memory_space<vmem>>
      %dma_wait3A_132 = arith.constant 0 : i32
      %dma_wait3A_133 = arith.constant 0 : i32
      %dma_wait3A_134 = tpu.memref_slice %arg3[%dma_wait3A_132, %dma_wait3A_133] : memref<1000000x128xf32, #tpu.memory_space<hbm>> -> memref<1000000x128xf32, #tpu.memory_space<hbm>>
      tpu.wait_indirect_dma semaphore(%arg7 : memref<!tpu.dma_semaphore, #tpu.memory_space<semaphore_mem>>) src(%dma_wait3A_134 : memref<1000000x128xf32, #tpu.memory_space<hbm>>) dst(%dma_wait3A_129 : memref<128x128xf32, #tpu.memory_space<vmem>>)
      %mul3A_135 = arith.constant 128 : i32
      %mul3A_136 = arith.muli %add3A_124, %mul3A_135 : i32
      %add3A_137 = arith.addi %mul3A_4, %mul3A_136 : i32
      %dma_start3A_138 = arith.constant 0 : i32
      %dma_start3A_139 = arith.constant 0 : i32
      %dma_start3A_140 = arith.constant 0 : i32
      %dma_start3A_141 = tpu.memref_slice %arg6[%dma_start3A_138, %dma_start3A_139, %dma_start3A_140] : memref<4x128x128xf32, #tpu.memory_space<vmem>> -> memref<1x128x128xf32, #tpu.memory_space<vmem>>
      %dma_start3A_142 = tpu.memref_squeeze %dma_start3A_141 : memref<1x128x128xf32, #tpu.memory_space<vmem>> -> memref<128x128xf32, #tpu.memory_space<vmem>>
      %dma_start3A_143 = arith.constant 0 : i32
      %dma_start3A_144 = tpu.memref_slice %arg4[%add3A_137, %dma_start3A_143] : memref<524288x128xf32, #tpu.memory_space<hbm>> -> memref<128x128xf32, #tpu.memory_space<hbm>>
      %dma_start3A_145 = arith.constant 0 : i32
      %dma_start3A_146 = tpu.memref_slice %arg4[%add3A_137, %dma_start3A_145] : memref<524288x128xf32, #tpu.memory_space<hbm>> -> memref<128x128xf32, #tpu.memory_space<hbm>>
      %dma_start3A_147 = arith.constant 0 : i32
      %dma_start3A_148 = arith.constant 0 : i32
      %dma_start3A_149 = tpu.memref_slice %arg6[%dma_start3A_138, %dma_start3A_147, %dma_start3A_148] : memref<4x128x128xf32, #tpu.memory_space<vmem>> -> memref<1x128x128xf32, #tpu.memory_space<vmem>>
      %dma_start3A_150 = tpu.memref_squeeze %dma_start3A_149 : memref<1x128x128xf32, #tpu.memory_space<vmem>> -> memref<128x128xf32, #tpu.memory_space<vmem>>
      tpu.enqueue_dma source(%dma_start3A_150 : memref<128x128xf32, #tpu.memory_space<vmem>>) target(%dma_start3A_146 : memref<128x128xf32, #tpu.memory_space<hbm>>) target_semaphore(%arg11 : memref<!tpu.dma_semaphore, #tpu.memory_space<semaphore_mem>>)
      %lt3A = arith.constant 31 : i32
      %lt3A_151 = arith.cmpi slt, %scan3A_120, %lt3A : i32
      %convert_element_type3A = arith.extui %lt3A_151 : i1 to i32
      %cond3A = arith.constant 0 : i32
      %cond3A_152 = arith.cmpi ne, %convert_element_type3A, %cond3A : i32
      scf.if %cond3A_152 {
        %mul3A_258 = arith.constant 128 : i32
        %mul3A_259 = arith.muli %add3A_124, %mul3A_258 : i32
        %add3A_260 = arith.addi %mul3A_4, %mul3A_259 : i32
        %dma_wait3A_261 = arith.constant 0 : i32
        %dma_wait3A_262 = arith.constant 0 : i32
        %dma_wait3A_263 = arith.constant 0 : i32
        %dma_wait3A_264 = tpu.memref_slice %arg6[%dma_wait3A_261, %dma_wait3A_262, %dma_wait3A_263] : memref<4x128x128xf32, #tpu.memory_space<vmem>> -> memref<1x128x128xf32, #tpu.memory_space<vmem>>
        %dma_wait3A_265 = tpu.memref_squeeze %dma_wait3A_264 : memref<1x128x128xf32, #tpu.memory_space<vmem>> -> memref<128x128xf32, #tpu.memory_space<vmem>>
        %dma_wait3A_266 = arith.constant 0 : i32
        %dma_wait3A_267 = tpu.memref_slice %arg4[%add3A_260, %dma_wait3A_266] : memref<524288x128xf32, #tpu.memory_space<hbm>> -> memref<128x128xf32, #tpu.memory_space<hbm>>
        %dma_wait3A_268 = arith.constant 0 : i32
        %dma_wait3A_269 = tpu.memref_slice %arg4[%add3A_260, %dma_wait3A_268] : memref<524288x128xf32, #tpu.memory_space<hbm>> -> memref<128x128xf32, #tpu.memory_space<hbm>>
        %dma_wait3A_270 = arith.constant 0 : i32
        %dma_wait3A_271 = arith.constant 0 : i32
        %dma_wait3A_272 = tpu.memref_slice %arg6[%dma_wait3A_261, %dma_wait3A_270, %dma_wait3A_271] : memref<4x128x128xf32, #tpu.memory_space<vmem>> -> memref<1x128x128xf32, #tpu.memory_space<vmem>>
        %dma_wait3A_273 = tpu.memref_squeeze %dma_wait3A_272 : memref<1x128x128xf32, #tpu.memory_space<vmem>> -> memref<128x128xf32, #tpu.memory_space<vmem>>
        tpu.wait_dma2 semaphore(%arg11 : memref<!tpu.dma_semaphore, #tpu.memory_space<semaphore_mem>>) src(%dma_wait3A_273 : memref<128x128xf32, #tpu.memory_space<vmem>>) dst(%dma_wait3A_269 : memref<128x128xf32, #tpu.memory_space<hbm>>)
        %add3A_274 = arith.constant 4 : i32
        %add3A_275 = arith.addi %add3A_124, %add3A_274 : i32
        %mul3A_276 = arith.constant 128 : i32
        %mul3A_277 = arith.muli %add3A_275, %mul3A_276 : i32
        %dma_start3A_278 = arith.constant 0 : i32
        %dma_start3A_279 = arith.constant 0 : i32
        %dma_start3A_280 = arith.constant 0 : i32
        %dma_start3A_281 = tpu.memref_slice %arg6[%dma_start3A_278, %dma_start3A_279, %dma_start3A_280] : memref<4x128x128xf32, #tpu.memory_space<vmem>> -> memref<1x128x128xf32, #tpu.memory_space<vmem>>
        %dma_start3A_282 = tpu.memref_squeeze %dma_start3A_281 : memref<1x128x128xf32, #tpu.memory_space<vmem>> -> memref<128x128xf32, #tpu.memory_space<vmem>>
        %dma_start3A_283 = tpu.memref_slice %arg5[%mul3A_277] : memref<16384xi32, #tpu.memory_space<vmem>> -> memref<128xi32, #tpu.memory_space<vmem>>
        %dma_start3A_284 = arith.constant 0 : i32
        %dma_start3A_285 = arith.constant 0 : i32
        %dma_start3A_286 = tpu.memref_slice %arg3[%dma_start3A_284, %dma_start3A_285] : memref<1000000x128xf32, #tpu.memory_space<hbm>> -> memref<1000000x128xf32, #tpu.memory_space<hbm>>
        tpu.enqueue_indirect_dma source(%dma_start3A_286 : memref<1000000x128xf32, #tpu.memory_space<hbm>>) target(%dma_start3A_282 : memref<128x128xf32, #tpu.memory_space<vmem>>) offsets(%dma_start3A_283 : memref<128xi32, #tpu.memory_space<vmem>>) semaphore(%arg7 : memref<!tpu.dma_semaphore, #tpu.memory_space<semaphore_mem>>)
      } else {
      }
      %mul3A_153 = arith.constant 4 : i32
      %mul3A_154 = arith.muli %mul3A_153, %scan3A_120 : i32
      %add3A_155 = arith.constant 1 : i32
      %add3A_156 = arith.addi %mul3A_154, %add3A_155 : i32
      %dma_wait3A_157 = arith.constant 1 : i32
      %dma_wait3A_158 = arith.constant 0 : i32
      %dma_wait3A_159 = arith.constant 0 : i32
      %dma_wait3A_160 = tpu.memref_slice %arg6[%dma_wait3A_157, %dma_wait3A_158, %dma_wait3A_159] : memref<4x128x128xf32, #tpu.memory_space<vmem>> -> memref<1x128x128xf32, #tpu.memory_space<vmem>>
      %dma_wait3A_161 = tpu.memref_squeeze %dma_wait3A_160 : memref<1x128x128xf32, #tpu.memory_space<vmem>> -> memref<128x128xf32, #tpu.memory_space<vmem>>
      %dma_wait3A_162 = arith.constant 0 : i32
      %dma_wait3A_163 = tpu.memref_slice %arg5[%dma_wait3A_162] : memref<16384xi32, #tpu.memory_space<vmem>> -> memref<128xi32, #tpu.memory_space<vmem>>
      %dma_wait3A_164 = arith.constant 0 : i32
      %dma_wait3A_165 = arith.constant 0 : i32
      %dma_wait3A_166 = tpu.memref_slice %arg3[%dma_wait3A_164, %dma_wait3A_165] : memref<1000000x128xf32, #tpu.memory_space<hbm>> -> memref<1000000x128xf32, #tpu.memory_space<hbm>>
      tpu.wait_indirect_dma semaphore(%arg8 : memref<!tpu.dma_semaphore, #tpu.memory_space<semaphore_mem>>) src(%dma_wait3A_166 : memref<1000000x128xf32, #tpu.memory_space<hbm>>) dst(%dma_wait3A_161 : memref<128x128xf32, #tpu.memory_space<vmem>>)
      %mul3A_167 = arith.constant 128 : i32
      %mul3A_168 = arith.muli %add3A_156, %mul3A_167 : i32
      %add3A_169 = arith.addi %mul3A_4, %mul3A_168 : i32
      %dma_start3A_170 = arith.constant 1 : i32
      %dma_start3A_171 = arith.constant 0 : i32
      %dma_start3A_172 = arith.constant 0 : i32
      %dma_start3A_173 = tpu.memref_slice %arg6[%dma_start3A_170, %dma_start3A_171, %dma_start3A_172] : memref<4x128x128xf32, #tpu.memory_space<vmem>> -> memref<1x128x128xf32, #tpu.memory_space<vmem>>
      %dma_start3A_174 = tpu.memref_squeeze %dma_start3A_173 : memref<1x128x128xf32, #tpu.memory_space<vmem>> -> memref<128x128xf32, #tpu.memory_space<vmem>>
      %dma_start3A_175 = arith.constant 0 : i32
      %dma_start3A_176 = tpu.memref_slice %arg4[%add3A_169, %dma_start3A_175] : memref<524288x128xf32, #tpu.memory_space<hbm>> -> memref<128x128xf32, #tpu.memory_space<hbm>>
      %dma_start3A_177 = arith.constant 0 : i32
      %dma_start3A_178 = tpu.memref_slice %arg4[%add3A_169, %dma_start3A_177] : memref<524288x128xf32, #tpu.memory_space<hbm>> -> memref<128x128xf32, #tpu.memory_space<hbm>>
      %dma_start3A_179 = arith.constant 0 : i32
      %dma_start3A_180 = arith.constant 0 : i32
      %dma_start3A_181 = tpu.memref_slice %arg6[%dma_start3A_170, %dma_start3A_179, %dma_start3A_180] : memref<4x128x128xf32, #tpu.memory_space<vmem>> -> memref<1x128x128xf32, #tpu.memory_space<vmem>>
      %dma_start3A_182 = tpu.memref_squeeze %dma_start3A_181 : memref<1x128x128xf32, #tpu.memory_space<vmem>> -> memref<128x128xf32, #tpu.memory_space<vmem>>
      tpu.enqueue_dma source(%dma_start3A_182 : memref<128x128xf32, #tpu.memory_space<vmem>>) target(%dma_start3A_178 : memref<128x128xf32, #tpu.memory_space<hbm>>) target_semaphore(%arg12 : memref<!tpu.dma_semaphore, #tpu.memory_space<semaphore_mem>>)
      %lt3A_183 = arith.constant 31 : i32
      %lt3A_184 = arith.cmpi slt, %scan3A_120, %lt3A_183 : i32
      %convert_element_type3A_185 = arith.extui %lt3A_184 : i1 to i32
      %cond3A_186 = arith.constant 0 : i32
      %cond3A_187 = arith.cmpi ne, %convert_element_type3A_185, %cond3A_186 : i32
      scf.if %cond3A_187 {
        %mul3A_258 = arith.constant 128 : i32
        %mul3A_259 = arith.muli %add3A_156, %mul3A_258 : i32
        %add3A_260 = arith.addi %mul3A_4, %mul3A_259 : i32
        %dma_wait3A_261 = arith.constant 1 : i32
        %dma_wait3A_262 = arith.constant 0 : i32
        %dma_wait3A_263 = arith.constant 0 : i32
        %dma_wait3A_264 = tpu.memref_slice %arg6[%dma_wait3A_261, %dma_wait3A_262, %dma_wait3A_263] : memref<4x128x128xf32, #tpu.memory_space<vmem>> -> memref<1x128x128xf32, #tpu.memory_space<vmem>>
        %dma_wait3A_265 = tpu.memref_squeeze %dma_wait3A_264 : memref<1x128x128xf32, #tpu.memory_space<vmem>> -> memref<128x128xf32, #tpu.memory_space<vmem>>
        %dma_wait3A_266 = arith.constant 0 : i32
        %dma_wait3A_267 = tpu.memref_slice %arg4[%add3A_260, %dma_wait3A_266] : memref<524288x128xf32, #tpu.memory_space<hbm>> -> memref<128x128xf32, #tpu.memory_space<hbm>>
        %dma_wait3A_268 = arith.constant 0 : i32
        %dma_wait3A_269 = tpu.memref_slice %arg4[%add3A_260, %dma_wait3A_268] : memref<524288x128xf32, #tpu.memory_space<hbm>> -> memref<128x128xf32, #tpu.memory_space<hbm>>
        %dma_wait3A_270 = arith.constant 0 : i32
        %dma_wait3A_271 = arith.constant 0 : i32
        %dma_wait3A_272 = tpu.memref_slice %arg6[%dma_wait3A_261, %dma_wait3A_270, %dma_wait3A_271] : memref<4x128x128xf32, #tpu.memory_space<vmem>> -> memref<1x128x128xf32, #tpu.memory_space<vmem>>
        %dma_wait3A_273 = tpu.memref_squeeze %dma_wait3A_272 : memref<1x128x128xf32, #tpu.memory_space<vmem>> -> memref<128x128xf32, #tpu.memory_space<vmem>>
        tpu.wait_dma2 semaphore(%arg12 : memref<!tpu.dma_semaphore, #tpu.memory_space<semaphore_mem>>) src(%dma_wait3A_273 : memref<128x128xf32, #tpu.memory_space<vmem>>) dst(%dma_wait3A_269 : memref<128x128xf32, #tpu.memory_space<hbm>>)
        %add3A_274 = arith.constant 4 : i32
        %add3A_275 = arith.addi %add3A_156, %add3A_274 : i32
        %mul3A_276 = arith.constant 128 : i32
        %mul3A_277 = arith.muli %add3A_275, %mul3A_276 : i32
        %dma_start3A_278 = arith.constant 1 : i32
        %dma_start3A_279 = arith.constant 0 : i32
        %dma_start3A_280 = arith.constant 0 : i32
        %dma_start3A_281 = tpu.memref_slice %arg6[%dma_start3A_278, %dma_start3A_279, %dma_start3A_280] : memref<4x128x128xf32, #tpu.memory_space<vmem>> -> memref<1x128x128xf32, #tpu.memory_space<vmem>>
        %dma_start3A_282 = tpu.memref_squeeze %dma_start3A_281 : memref<1x128x128xf32, #tpu.memory_space<vmem>> -> memref<128x128xf32, #tpu.memory_space<vmem>>
        %dma_start3A_283 = tpu.memref_slice %arg5[%mul3A_277] : memref<16384xi32, #tpu.memory_space<vmem>> -> memref<128xi32, #tpu.memory_space<vmem>>
        %dma_start3A_284 = arith.constant 0 : i32
        %dma_start3A_285 = arith.constant 0 : i32
        %dma_start3A_286 = tpu.memref_slice %arg3[%dma_start3A_284, %dma_start3A_285] : memref<1000000x128xf32, #tpu.memory_space<hbm>> -> memref<1000000x128xf32, #tpu.memory_space<hbm>>
        tpu.enqueue_indirect_dma source(%dma_start3A_286 : memref<1000000x128xf32, #tpu.memory_space<hbm>>) target(%dma_start3A_282 : memref<128x128xf32, #tpu.memory_space<vmem>>) offsets(%dma_start3A_283 : memref<128xi32, #tpu.memory_space<vmem>>) semaphore(%arg8 : memref<!tpu.dma_semaphore, #tpu.memory_space<semaphore_mem>>)
      } else {
      }
      %mul3A_188 = arith.constant 4 : i32
      %mul3A_189 = arith.muli %mul3A_188, %scan3A_120 : i32
      %add3A_190 = arith.constant 2 : i32
      %add3A_191 = arith.addi %mul3A_189, %add3A_190 : i32
      %dma_wait3A_192 = arith.constant 2 : i32
      %dma_wait3A_193 = arith.constant 0 : i32
      %dma_wait3A_194 = arith.constant 0 : i32
      %dma_wait3A_195 = tpu.memref_slice %arg6[%dma_wait3A_192, %dma_wait3A_193, %dma_wait3A_194] : memref<4x128x128xf32, #tpu.memory_space<vmem>> -> memref<1x128x128xf32, #tpu.memory_space<vmem>>
      %dma_wait3A_196 = tpu.memref_squeeze %dma_wait3A_195 : memref<1x128x128xf32, #tpu.memory_space<vmem>> -> memref<128x128xf32, #tpu.memory_space<vmem>>
      %dma_wait3A_197 = arith.constant 0 : i32
      %dma_wait3A_198 = tpu.memref_slice %arg5[%dma_wait3A_197] : memref<16384xi32, #tpu.memory_space<vmem>> -> memref<128xi32, #tpu.memory_space<vmem>>
      %dma_wait3A_199 = arith.constant 0 : i32
      %dma_wait3A_200 = arith.constant 0 : i32
      %dma_wait3A_201 = tpu.memref_slice %arg3[%dma_wait3A_199, %dma_wait3A_200] : memref<1000000x128xf32, #tpu.memory_space<hbm>> -> memref<1000000x128xf32, #tpu.memory_space<hbm>>
      tpu.wait_indirect_dma semaphore(%arg9 : memref<!tpu.dma_semaphore, #tpu.memory_space<semaphore_mem>>) src(%dma_wait3A_201 : memref<1000000x128xf32, #tpu.memory_space<hbm>>) dst(%dma_wait3A_196 : memref<128x128xf32, #tpu.memory_space<vmem>>)
      %mul3A_202 = arith.constant 128 : i32
      %mul3A_203 = arith.muli %add3A_191, %mul3A_202 : i32
      %add3A_204 = arith.addi %mul3A_4, %mul3A_203 : i32
      %dma_start3A_205 = arith.constant 2 : i32
      %dma_start3A_206 = arith.constant 0 : i32
      %dma_start3A_207 = arith.constant 0 : i32
      %dma_start3A_208 = tpu.memref_slice %arg6[%dma_start3A_205, %dma_start3A_206, %dma_start3A_207] : memref<4x128x128xf32, #tpu.memory_space<vmem>> -> memref<1x128x128xf32, #tpu.memory_space<vmem>>
      %dma_start3A_209 = tpu.memref_squeeze %dma_start3A_208 : memref<1x128x128xf32, #tpu.memory_space<vmem>> -> memref<128x128xf32, #tpu.memory_space<vmem>>
      %dma_start3A_210 = arith.constant 0 : i32
      %dma_start3A_211 = tpu.memref_slice %arg4[%add3A_204, %dma_start3A_210] : memref<524288x128xf32, #tpu.memory_space<hbm>> -> memref<128x128xf32, #tpu.memory_space<hbm>>
      %dma_start3A_212 = arith.constant 0 : i32
      %dma_start3A_213 = tpu.memref_slice %arg4[%add3A_204, %dma_start3A_212] : memref<524288x128xf32, #tpu.memory_space<hbm>> -> memref<128x128xf32, #tpu.memory_space<hbm>>
      %dma_start3A_214 = arith.constant 0 : i32
      %dma_start3A_215 = arith.constant 0 : i32
      %dma_start3A_216 = tpu.memref_slice %arg6[%dma_start3A_205, %dma_start3A_214, %dma_start3A_215] : memref<4x128x128xf32, #tpu.memory_space<vmem>> -> memref<1x128x128xf32, #tpu.memory_space<vmem>>
      %dma_start3A_217 = tpu.memref_squeeze %dma_start3A_216 : memref<1x128x128xf32, #tpu.memory_space<vmem>> -> memref<128x128xf32, #tpu.memory_space<vmem>>
      tpu.enqueue_dma source(%dma_start3A_217 : memref<128x128xf32, #tpu.memory_space<vmem>>) target(%dma_start3A_213 : memref<128x128xf32, #tpu.memory_space<hbm>>) target_semaphore(%arg13 : memref<!tpu.dma_semaphore, #tpu.memory_space<semaphore_mem>>)
      %lt3A_218 = arith.constant 31 : i32
      %lt3A_219 = arith.cmpi slt, %scan3A_120, %lt3A_218 : i32
      %convert_element_type3A_220 = arith.extui %lt3A_219 : i1 to i32
      %cond3A_221 = arith.constant 0 : i32
      %cond3A_222 = arith.cmpi ne, %convert_element_type3A_220, %cond3A_221 : i32
      scf.if %cond3A_222 {
        %mul3A_258 = arith.constant 128 : i32
        %mul3A_259 = arith.muli %add3A_191, %mul3A_258 : i32
        %add3A_260 = arith.addi %mul3A_4, %mul3A_259 : i32
        %dma_wait3A_261 = arith.constant 2 : i32
        %dma_wait3A_262 = arith.constant 0 : i32
        %dma_wait3A_263 = arith.constant 0 : i32
        %dma_wait3A_264 = tpu.memref_slice %arg6[%dma_wait3A_261, %dma_wait3A_262, %dma_wait3A_263] : memref<4x128x128xf32, #tpu.memory_space<vmem>> -> memref<1x128x128xf32, #tpu.memory_space<vmem>>
        %dma_wait3A_265 = tpu.memref_squeeze %dma_wait3A_264 : memref<1x128x128xf32, #tpu.memory_space<vmem>> -> memref<128x128xf32, #tpu.memory_space<vmem>>
        %dma_wait3A_266 = arith.constant 0 : i32
        %dma_wait3A_267 = tpu.memref_slice %arg4[%add3A_260, %dma_wait3A_266] : memref<524288x128xf32, #tpu.memory_space<hbm>> -> memref<128x128xf32, #tpu.memory_space<hbm>>
        %dma_wait3A_268 = arith.constant 0 : i32
        %dma_wait3A_269 = tpu.memref_slice %arg4[%add3A_260, %dma_wait3A_268] : memref<524288x128xf32, #tpu.memory_space<hbm>> -> memref<128x128xf32, #tpu.memory_space<hbm>>
        %dma_wait3A_270 = arith.constant 0 : i32
        %dma_wait3A_271 = arith.constant 0 : i32
        %dma_wait3A_272 = tpu.memref_slice %arg6[%dma_wait3A_261, %dma_wait3A_270, %dma_wait3A_271] : memref<4x128x128xf32, #tpu.memory_space<vmem>> -> memref<1x128x128xf32, #tpu.memory_space<vmem>>
        %dma_wait3A_273 = tpu.memref_squeeze %dma_wait3A_272 : memref<1x128x128xf32, #tpu.memory_space<vmem>> -> memref<128x128xf32, #tpu.memory_space<vmem>>
        tpu.wait_dma2 semaphore(%arg13 : memref<!tpu.dma_semaphore, #tpu.memory_space<semaphore_mem>>) src(%dma_wait3A_273 : memref<128x128xf32, #tpu.memory_space<vmem>>) dst(%dma_wait3A_269 : memref<128x128xf32, #tpu.memory_space<hbm>>)
        %add3A_274 = arith.constant 4 : i32
        %add3A_275 = arith.addi %add3A_191, %add3A_274 : i32
        %mul3A_276 = arith.constant 128 : i32
        %mul3A_277 = arith.muli %add3A_275, %mul3A_276 : i32
        %dma_start3A_278 = arith.constant 2 : i32
        %dma_start3A_279 = arith.constant 0 : i32
        %dma_start3A_280 = arith.constant 0 : i32
        %dma_start3A_281 = tpu.memref_slice %arg6[%dma_start3A_278, %dma_start3A_279, %dma_start3A_280] : memref<4x128x128xf32, #tpu.memory_space<vmem>> -> memref<1x128x128xf32, #tpu.memory_space<vmem>>
        %dma_start3A_282 = tpu.memref_squeeze %dma_start3A_281 : memref<1x128x128xf32, #tpu.memory_space<vmem>> -> memref<128x128xf32, #tpu.memory_space<vmem>>
        %dma_start3A_283 = tpu.memref_slice %arg5[%mul3A_277] : memref<16384xi32, #tpu.memory_space<vmem>> -> memref<128xi32, #tpu.memory_space<vmem>>
        %dma_start3A_284 = arith.constant 0 : i32
        %dma_start3A_285 = arith.constant 0 : i32
        %dma_start3A_286 = tpu.memref_slice %arg3[%dma_start3A_284, %dma_start3A_285] : memref<1000000x128xf32, #tpu.memory_space<hbm>> -> memref<1000000x128xf32, #tpu.memory_space<hbm>>
        tpu.enqueue_indirect_dma source(%dma_start3A_286 : memref<1000000x128xf32, #tpu.memory_space<hbm>>) target(%dma_start3A_282 : memref<128x128xf32, #tpu.memory_space<vmem>>) offsets(%dma_start3A_283 : memref<128xi32, #tpu.memory_space<vmem>>) semaphore(%arg9 : memref<!tpu.dma_semaphore, #tpu.memory_space<semaphore_mem>>)
      } else {
      }
      %mul3A_223 = arith.constant 4 : i32
      %mul3A_224 = arith.muli %mul3A_223, %scan3A_120 : i32
      %add3A_225 = arith.constant 3 : i32
      %add3A_226 = arith.addi %mul3A_224, %add3A_225 : i32
      %dma_wait3A_227 = arith.constant 3 : i32
      %dma_wait3A_228 = arith.constant 0 : i32
      %dma_wait3A_229 = arith.constant 0 : i32
      %dma_wait3A_230 = tpu.memref_slice %arg6[%dma_wait3A_227, %dma_wait3A_228, %dma_wait3A_229] : memref<4x128x128xf32, #tpu.memory_space<vmem>> -> memref<1x128x128xf32, #tpu.memory_space<vmem>>
      %dma_wait3A_231 = tpu.memref_squeeze %dma_wait3A_230 : memref<1x128x128xf32, #tpu.memory_space<vmem>> -> memref<128x128xf32, #tpu.memory_space<vmem>>
      %dma_wait3A_232 = arith.constant 0 : i32
      %dma_wait3A_233 = tpu.memref_slice %arg5[%dma_wait3A_232] : memref<16384xi32, #tpu.memory_space<vmem>> -> memref<128xi32, #tpu.memory_space<vmem>>
      %dma_wait3A_234 = arith.constant 0 : i32
      %dma_wait3A_235 = arith.constant 0 : i32
      %dma_wait3A_236 = tpu.memref_slice %arg3[%dma_wait3A_234, %dma_wait3A_235] : memref<1000000x128xf32, #tpu.memory_space<hbm>> -> memref<1000000x128xf32, #tpu.memory_space<hbm>>
      tpu.wait_indirect_dma semaphore(%arg10 : memref<!tpu.dma_semaphore, #tpu.memory_space<semaphore_mem>>) src(%dma_wait3A_236 : memref<1000000x128xf32, #tpu.memory_space<hbm>>) dst(%dma_wait3A_231 : memref<128x128xf32, #tpu.memory_space<vmem>>)
      %mul3A_237 = arith.constant 128 : i32
      %mul3A_238 = arith.muli %add3A_226, %mul3A_237 : i32
      %add3A_239 = arith.addi %mul3A_4, %mul3A_238 : i32
      %dma_start3A_240 = arith.constant 3 : i32
      %dma_start3A_241 = arith.constant 0 : i32
      %dma_start3A_242 = arith.constant 0 : i32
      %dma_start3A_243 = tpu.memref_slice %arg6[%dma_start3A_240, %dma_start3A_241, %dma_start3A_242] : memref<4x128x128xf32, #tpu.memory_space<vmem>> -> memref<1x128x128xf32, #tpu.memory_space<vmem>>
      %dma_start3A_244 = tpu.memref_squeeze %dma_start3A_243 : memref<1x128x128xf32, #tpu.memory_space<vmem>> -> memref<128x128xf32, #tpu.memory_space<vmem>>
      %dma_start3A_245 = arith.constant 0 : i32
      %dma_start3A_246 = tpu.memref_slice %arg4[%add3A_239, %dma_start3A_245] : memref<524288x128xf32, #tpu.memory_space<hbm>> -> memref<128x128xf32, #tpu.memory_space<hbm>>
      %dma_start3A_247 = arith.constant 0 : i32
      %dma_start3A_248 = tpu.memref_slice %arg4[%add3A_239, %dma_start3A_247] : memref<524288x128xf32, #tpu.memory_space<hbm>> -> memref<128x128xf32, #tpu.memory_space<hbm>>
      %dma_start3A_249 = arith.constant 0 : i32
      %dma_start3A_250 = arith.constant 0 : i32
      %dma_start3A_251 = tpu.memref_slice %arg6[%dma_start3A_240, %dma_start3A_249, %dma_start3A_250] : memref<4x128x128xf32, #tpu.memory_space<vmem>> -> memref<1x128x128xf32, #tpu.memory_space<vmem>>
      %dma_start3A_252 = tpu.memref_squeeze %dma_start3A_251 : memref<1x128x128xf32, #tpu.memory_space<vmem>> -> memref<128x128xf32, #tpu.memory_space<vmem>>
      tpu.enqueue_dma source(%dma_start3A_252 : memref<128x128xf32, #tpu.memory_space<vmem>>) target(%dma_start3A_248 : memref<128x128xf32, #tpu.memory_space<hbm>>) target_semaphore(%arg14 : memref<!tpu.dma_semaphore, #tpu.memory_space<semaphore_mem>>)
      %lt3A_253 = arith.constant 31 : i32
      %lt3A_254 = arith.cmpi slt, %scan3A_120, %lt3A_253 : i32
      %convert_element_type3A_255 = arith.extui %lt3A_254 : i1 to i32
      %cond3A_256 = arith.constant 0 : i32
      %cond3A_257 = arith.cmpi ne, %convert_element_type3A_255, %cond3A_256 : i32
      scf.if %cond3A_257 {
        %mul3A_258 = arith.constant 128 : i32
        %mul3A_259 = arith.muli %add3A_226, %mul3A_258 : i32
        %add3A_260 = arith.addi %mul3A_4, %mul3A_259 : i32
        %dma_wait3A_261 = arith.constant 3 : i32
        %dma_wait3A_262 = arith.constant 0 : i32
        %dma_wait3A_263 = arith.constant 0 : i32
        %dma_wait3A_264 = tpu.memref_slice %arg6[%dma_wait3A_261, %dma_wait3A_262, %dma_wait3A_263] : memref<4x128x128xf32, #tpu.memory_space<vmem>> -> memref<1x128x128xf32, #tpu.memory_space<vmem>>
        %dma_wait3A_265 = tpu.memref_squeeze %dma_wait3A_264 : memref<1x128x128xf32, #tpu.memory_space<vmem>> -> memref<128x128xf32, #tpu.memory_space<vmem>>
        %dma_wait3A_266 = arith.constant 0 : i32
        %dma_wait3A_267 = tpu.memref_slice %arg4[%add3A_260, %dma_wait3A_266] : memref<524288x128xf32, #tpu.memory_space<hbm>> -> memref<128x128xf32, #tpu.memory_space<hbm>>
        %dma_wait3A_268 = arith.constant 0 : i32
        %dma_wait3A_269 = tpu.memref_slice %arg4[%add3A_260, %dma_wait3A_268] : memref<524288x128xf32, #tpu.memory_space<hbm>> -> memref<128x128xf32, #tpu.memory_space<hbm>>
        %dma_wait3A_270 = arith.constant 0 : i32
        %dma_wait3A_271 = arith.constant 0 : i32
        %dma_wait3A_272 = tpu.memref_slice %arg6[%dma_wait3A_261, %dma_wait3A_270, %dma_wait3A_271] : memref<4x128x128xf32, #tpu.memory_space<vmem>> -> memref<1x128x128xf32, #tpu.memory_space<vmem>>
        %dma_wait3A_273 = tpu.memref_squeeze %dma_wait3A_272 : memref<1x128x128xf32, #tpu.memory_space<vmem>> -> memref<128x128xf32, #tpu.memory_space<vmem>>
        tpu.wait_dma2 semaphore(%arg14 : memref<!tpu.dma_semaphore, #tpu.memory_space<semaphore_mem>>) src(%dma_wait3A_273 : memref<128x128xf32, #tpu.memory_space<vmem>>) dst(%dma_wait3A_269 : memref<128x128xf32, #tpu.memory_space<hbm>>)
        %add3A_274 = arith.constant 4 : i32
        %add3A_275 = arith.addi %add3A_226, %add3A_274 : i32
        %mul3A_276 = arith.constant 128 : i32
        %mul3A_277 = arith.muli %add3A_275, %mul3A_276 : i32
        %dma_start3A_278 = arith.constant 3 : i32
        %dma_start3A_279 = arith.constant 0 : i32
        %dma_start3A_280 = arith.constant 0 : i32
        %dma_start3A_281 = tpu.memref_slice %arg6[%dma_start3A_278, %dma_start3A_279, %dma_start3A_280] : memref<4x128x128xf32, #tpu.memory_space<vmem>> -> memref<1x128x128xf32, #tpu.memory_space<vmem>>
        %dma_start3A_282 = tpu.memref_squeeze %dma_start3A_281 : memref<1x128x128xf32, #tpu.memory_space<vmem>> -> memref<128x128xf32, #tpu.memory_space<vmem>>
        %dma_start3A_283 = tpu.memref_slice %arg5[%mul3A_277] : memref<16384xi32, #tpu.memory_space<vmem>> -> memref<128xi32, #tpu.memory_space<vmem>>
        %dma_start3A_284 = arith.constant 0 : i32
        %dma_start3A_285 = arith.constant 0 : i32
        %dma_start3A_286 = tpu.memref_slice %arg3[%dma_start3A_284, %dma_start3A_285] : memref<1000000x128xf32, #tpu.memory_space<hbm>> -> memref<1000000x128xf32, #tpu.memory_space<hbm>>
        tpu.enqueue_indirect_dma source(%dma_start3A_286 : memref<1000000x128xf32, #tpu.memory_space<hbm>>) target(%dma_start3A_282 : memref<128x128xf32, #tpu.memory_space<vmem>>) offsets(%dma_start3A_283 : memref<128xi32, #tpu.memory_space<vmem>>) semaphore(%arg10 : memref<!tpu.dma_semaphore, #tpu.memory_space<semaphore_mem>>)
      } else {
      }
    }
    %scan3A_60 = arith.constant 32 : i32
    %add3A_61 = arith.constant 15872 : i32
    %add3A_62 = arith.addi %mul3A_4, %add3A_61 : i32
    %dma_wait3A = arith.constant 0 : i32
    %dma_wait3A_63 = arith.constant 0 : i32
    %dma_wait3A_64 = arith.constant 0 : i32
    %dma_wait3A_65 = tpu.memref_slice %arg6[%dma_wait3A, %dma_wait3A_63, %dma_wait3A_64] : memref<4x128x128xf32, #tpu.memory_space<vmem>> -> memref<1x128x128xf32, #tpu.memory_space<vmem>>
    %dma_wait3A_66 = tpu.memref_squeeze %dma_wait3A_65 : memref<1x128x128xf32, #tpu.memory_space<vmem>> -> memref<128x128xf32, #tpu.memory_space<vmem>>
    %dma_wait3A_67 = arith.constant 0 : i32
    %dma_wait3A_68 = tpu.memref_slice %arg4[%add3A_62, %dma_wait3A_67] : memref<524288x128xf32, #tpu.memory_space<hbm>> -> memref<128x128xf32, #tpu.memory_space<hbm>>
    %dma_wait3A_69 = arith.constant 0 : i32
    %dma_wait3A_70 = tpu.memref_slice %arg4[%add3A_62, %dma_wait3A_69] : memref<524288x128xf32, #tpu.memory_space<hbm>> -> memref<128x128xf32, #tpu.memory_space<hbm>>
    %dma_wait3A_71 = arith.constant 0 : i32
    %dma_wait3A_72 = arith.constant 0 : i32
    %dma_wait3A_73 = tpu.memref_slice %arg6[%dma_wait3A, %dma_wait3A_71, %dma_wait3A_72] : memref<4x128x128xf32, #tpu.memory_space<vmem>> -> memref<1x128x128xf32, #tpu.memory_space<vmem>>
    %dma_wait3A_74 = tpu.memref_squeeze %dma_wait3A_73 : memref<1x128x128xf32, #tpu.memory_space<vmem>> -> memref<128x128xf32, #tpu.memory_space<vmem>>
    tpu.wait_dma2 semaphore(%arg11 : memref<!tpu.dma_semaphore, #tpu.memory_space<semaphore_mem>>) src(%dma_wait3A_74 : memref<128x128xf32, #tpu.memory_space<vmem>>) dst(%dma_wait3A_70 : memref<128x128xf32, #tpu.memory_space<hbm>>)
    %add3A_75 = arith.constant 16000 : i32
    %add3A_76 = arith.addi %mul3A_4, %add3A_75 : i32
    %dma_wait3A_77 = arith.constant 1 : i32
    %dma_wait3A_78 = arith.constant 0 : i32
    %dma_wait3A_79 = arith.constant 0 : i32
    %dma_wait3A_80 = tpu.memref_slice %arg6[%dma_wait3A_77, %dma_wait3A_78, %dma_wait3A_79] : memref<4x128x128xf32, #tpu.memory_space<vmem>> -> memref<1x128x128xf32, #tpu.memory_space<vmem>>
    %dma_wait3A_81 = tpu.memref_squeeze %dma_wait3A_80 : memref<1x128x128xf32, #tpu.memory_space<vmem>> -> memref<128x128xf32, #tpu.memory_space<vmem>>
    %dma_wait3A_82 = arith.constant 0 : i32
    %dma_wait3A_83 = tpu.memref_slice %arg4[%add3A_76, %dma_wait3A_82] : memref<524288x128xf32, #tpu.memory_space<hbm>> -> memref<128x128xf32, #tpu.memory_space<hbm>>
    %dma_wait3A_84 = arith.constant 0 : i32
    %dma_wait3A_85 = tpu.memref_slice %arg4[%add3A_76, %dma_wait3A_84] : memref<524288x128xf32, #tpu.memory_space<hbm>> -> memref<128x128xf32, #tpu.memory_space<hbm>>
    %dma_wait3A_86 = arith.constant 0 : i32
    %dma_wait3A_87 = arith.constant 0 : i32
    %dma_wait3A_88 = tpu.memref_slice %arg6[%dma_wait3A_77, %dma_wait3A_86, %dma_wait3A_87] : memref<4x128x128xf32, #tpu.memory_space<vmem>> -> memref<1x128x128xf32, #tpu.memory_space<vmem>>
    %dma_wait3A_89 = tpu.memref_squeeze %dma_wait3A_88 : memref<1x128x128xf32, #tpu.memory_space<vmem>> -> memref<128x128xf32, #tpu.memory_space<vmem>>
    tpu.wait_dma2 semaphore(%arg12 : memref<!tpu.dma_semaphore, #tpu.memory_space<semaphore_mem>>) src(%dma_wait3A_89 : memref<128x128xf32, #tpu.memory_space<vmem>>) dst(%dma_wait3A_85 : memref<128x128xf32, #tpu.memory_space<hbm>>)
    %add3A_90 = arith.constant 16128 : i32
    %add3A_91 = arith.addi %mul3A_4, %add3A_90 : i32
    %dma_wait3A_92 = arith.constant 2 : i32
    %dma_wait3A_93 = arith.constant 0 : i32
    %dma_wait3A_94 = arith.constant 0 : i32
    %dma_wait3A_95 = tpu.memref_slice %arg6[%dma_wait3A_92, %dma_wait3A_93, %dma_wait3A_94] : memref<4x128x128xf32, #tpu.memory_space<vmem>> -> memref<1x128x128xf32, #tpu.memory_space<vmem>>
    %dma_wait3A_96 = tpu.memref_squeeze %dma_wait3A_95 : memref<1x128x128xf32, #tpu.memory_space<vmem>> -> memref<128x128xf32, #tpu.memory_space<vmem>>
    %dma_wait3A_97 = arith.constant 0 : i32
    %dma_wait3A_98 = tpu.memref_slice %arg4[%add3A_91, %dma_wait3A_97] : memref<524288x128xf32, #tpu.memory_space<hbm>> -> memref<128x128xf32, #tpu.memory_space<hbm>>
    %dma_wait3A_99 = arith.constant 0 : i32
    %dma_wait3A_100 = tpu.memref_slice %arg4[%add3A_91, %dma_wait3A_99] : memref<524288x128xf32, #tpu.memory_space<hbm>> -> memref<128x128xf32, #tpu.memory_space<hbm>>
    %dma_wait3A_101 = arith.constant 0 : i32
    %dma_wait3A_102 = arith.constant 0 : i32
    %dma_wait3A_103 = tpu.memref_slice %arg6[%dma_wait3A_92, %dma_wait3A_101, %dma_wait3A_102] : memref<4x128x128xf32, #tpu.memory_space<vmem>> -> memref<1x128x128xf32, #tpu.memory_space<vmem>>
    %dma_wait3A_104 = tpu.memref_squeeze %dma_wait3A_103 : memref<1x128x128xf32, #tpu.memory_space<vmem>> -> memref<128x128xf32, #tpu.memory_space<vmem>>
    tpu.wait_dma2 semaphore(%arg13 : memref<!tpu.dma_semaphore, #tpu.memory_space<semaphore_mem>>) src(%dma_wait3A_104 : memref<128x128xf32, #tpu.memory_space<vmem>>) dst(%dma_wait3A_100 : memref<128x128xf32, #tpu.memory_space<hbm>>)
    %add3A_105 = arith.constant 16256 : i32
    %add3A_106 = arith.addi %mul3A_4, %add3A_105 : i32
    %dma_wait3A_107 = arith.constant 3 : i32
    %dma_wait3A_108 = arith.constant 0 : i32
    %dma_wait3A_109 = arith.constant 0 : i32
    %dma_wait3A_110 = tpu.memref_slice %arg6[%dma_wait3A_107, %dma_wait3A_108, %dma_wait3A_109] : memref<4x128x128xf32, #tpu.memory_space<vmem>> -> memref<1x128x128xf32, #tpu.memory_space<vmem>>
    %dma_wait3A_111 = tpu.memref_squeeze %dma_wait3A_110 : memref<1x128x128xf32, #tpu.memory_space<vmem>> -> memref<128x128xf32, #tpu.memory_space<vmem>>
    %dma_wait3A_112 = arith.constant 0 : i32
    %dma_wait3A_113 = tpu.memref_slice %arg4[%add3A_106, %dma_wait3A_112] : memref<524288x128xf32, #tpu.memory_space<hbm>> -> memref<128x128xf32, #tpu.memory_space<hbm>>
    %dma_wait3A_114 = arith.constant 0 : i32
    %dma_wait3A_115 = tpu.memref_slice %arg4[%add3A_106, %dma_wait3A_114] : memref<524288x128xf32, #tpu.memory_space<hbm>> -> memref<128x128xf32, #tpu.memory_space<hbm>>
    %dma_wait3A_116 = arith.constant 0 : i32
    %dma_wait3A_117 = arith.constant 0 : i32
    %dma_wait3A_118 = tpu.memref_slice %arg6[%dma_wait3A_107, %dma_wait3A_116, %dma_wait3A_117] : memref<4x128x128xf32, #tpu.memory_space<vmem>> -> memref<1x128x128xf32, #tpu.memory_space<vmem>>
    %dma_wait3A_119 = tpu.memref_squeeze %dma_wait3A_118 : memref<1x128x128xf32, #tpu.memory_space<vmem>> -> memref<128x128xf32, #tpu.memory_space<vmem>>
    tpu.wait_dma2 semaphore(%arg14 : memref<!tpu.dma_semaphore, #tpu.memory_space<semaphore_mem>>) src(%dma_wait3A_119 : memref<128x128xf32, #tpu.memory_space<vmem>>) dst(%dma_wait3A_115 : memref<128x128xf32, #tpu.memory_space<hbm>>)
    return
  }
}

</mosaic_0001>

<sc_bundles>
// kernel: kernel.3.cloned.1.call-start
scs
__scs_entry_jumppad:
0x0: {  	(pc) =	sbr.rel $0x88, $3  }
0x1: {  	(tag) =	ssettag $0x0;
	lr =	simm.s32 $0x1  }
0x2: {  	[smem:$0x3F9F] =	sst lr;
	_ =	strace $0xD0000000  }
0x3: {  	_ = 	snop  }
0x4: {  	_ = 	snop  }
0x5: {  	_ = 	snop  }
0x6: {  	_ = 	snop  }
0x7: {  	_ = 	snop  }
__scs_overlays_trampoline_lowered:
0x8: {  	[smem:$0x3FAE] =	sst s0  }
0x9: {  	[smem:$0x3FAF] =	sst s1  }
0xa: {  	[smem:$0x3FB0] =	sst s2  }
0xb: {  	[smem:$0x3FB1] =	sst s3  }
0xc: {  	[smem:$0x3FB2] =	sst s4  }
0xd: {  	[smem:$0x3FB3] =	sst s5  }
0xe: {  	[smem:$0x3FB4] =	sst s6  }
0xf: {  	[smem:$0x3FB5] =	sst s7  }
0x10: {  	[smem:$0x3FB6] =	sst s8  }
0x11: {  	[smem:$0x3FB7] =	sst s9;
	s0 =	simm.s32 @!p0 $0x0  }
0x12: {  	s1 =	sld [smem:$0x3F9D];
	s0 =	simm.s32 @p0 $0x1  }
0x13: {  	[smem:$0x3FB8] =	sst s0;
	s0 =	simm.s32 @!p1 $0x0  }
0x14: {  	s2 =	sld [smem:$0x3F9C];
	s0 =	simm.s32 @p1 $0x1  }
0x15: {  	[smem:$0x3FB9] =	sst s0;
	s0 =	simm.s32 @!p2 $0x0  }
0x16: {  	s3 =	sld [smem:$0x3FDB];
	s0 =	simm.s32 @p2 $0x1  }
0x17: {  	s4 =	simm.s32 $0x1BF5;
	[smem:$0x3FBB] =	sst s0  }
0x18: {  	s0 =	sld [smem:$0x3F9E];
	_ =	swait.ge [sflag:s4], $0x0  }
0x19: {  	s7 =	sld [smem:$0x3F9F]  }
0x1a: {  	s8 =	sadd.s32 $0xFFFFE003, lr  }
0x1b: {  	s9 =	sadd.s32 $0xFFFFFEF7, lr;
	s5 =	simm.s32 $0xFFFFFFFF;
	p2 =	slt.u32 s8, $0xFFFFF086  }
0x1c: {  	p1 =	slt.u32 s9, $0xF7A;
	s5 =	simm.s32 @!p2 $0x0  }
0x1d: {  	s5 =	simm.s32 @p1 $0x1;
	p0 =	seq.s32 s7, s2  }
0x1e: {  	s7 =	smul.u32 @!p0 $0xF7A, s2;
	p2 =	seq.s32 @!p0 s5, $0x0  }
0x1f: {  	s9 =	smul.u32 $0xF7A, s1;
	s8 =	simm.s32 @!p0 $0x1BF5;
	p2 =	por !p2, p0  }
0x20: {  	[sflag:s8] =	ssyncset.s32 @!p0 $0xFFFFF086;
	s6 =	sadd.s32 @!p0 s3, s7;
	s7 =	simm.s32 @!p0 $0x108  }
0x21: {  	s3 =	sadd.s32 s3, s9;
	s6 =	sadd.s32 @!p0 $0x88, s6;
	s7 =	simm.s32 @p2 $0x1082  }
0x22: {  	[simem:s7], [sflag:s8] =	dma.local @!p0 [hbm:s6], $0xF7A  }
0x23: {  	s9 =	sor.u32 $0xD0000000, s2;
	s6 =	simm.s32 $0x108;
	_ =	swait.ge @!p0 [sflag:s8], $0x0  }
0x24: {  	s3 =	sadd.s32 $0x88, s3;
	s6 =	simm.s32 @!p1 $0x1082;
	[sflag:s4] =	ssyncset.s32 $0xFFFFF086  }
0x25: {  	[simem:s6], [sflag:s4] =	dma.local [hbm:s3], $0xF7A  }
0x26: {  	[smem:$0x3F9F] =	sst s1;
	(tag) =	ssettag s2;
	_ =	strace s9  }
0x27: {  	s1 =	sld [smem:$0x3FAF]  }
0x28: {  	s2 =	sld [smem:$0x3FB0]  }
0x29: {  	s4 =	sld [smem:$0x3FB2]  }
0x2a: {  	p0 =	seq.s32 s5, $0x0;
	s5 =	sld [smem:$0x3FB3]  }
0x2b: {  	s6 =	sld [smem:$0x3FB4]  }
0x2c: {  	s7 =	sld [smem:$0x3FB5]  }
0x2d: {  	s3 =	simm.s32 $0x108;
	s8 =	sld [smem:$0x3FB6]  }
0x2e: {  	s3 =	simm.s32 @!p0 $0x1082;
	s9 =	sld [smem:$0x3FB7]  }
0x2f: {  	lr =	sadd.s32 s0, s3;
	s0 =	sld [smem:$0x3FAE]  }
0x30: {  	s3 =	sld [smem:$0x3FB1]  }
0x31: {  	[smem:$0x3FBA] =	sst s10  }
0x32: {  	s10 =	sld [smem:$0x3FB8];
	_ =	sdelay $0x3  }
0x33: {  	p0 =	seq.s32 s10, $0x1;
	s10 =	sld [smem:$0x3FBA];
	_ =	sdelay $0x3  }
0x34: {  	[smem:$0x3FBA] =	sst s10  }
0x35: {  	s10 =	sld [smem:$0x3FB9];
	_ =	sdelay $0x3  }
0x36: {  	p1 =	seq.s32 s10, $0x1;
	s10 =	sld [smem:$0x3FBA];
	_ =	sdelay $0x3  }
0x37: {  	[smem:$0x3FBA] =	sst s10  }
0x38: {  	s10 =	sld [smem:$0x3FBB]  }
0x39: {  	_ = 	snop;
	(pc) =	sbr.ind lr, $3  }
0x3a: {  	_ = 	snop  }
0x3b: {  	_ = 	snop  }
0x3c: {  	p2 =	seq.s32 s10, $0x1;
	s10 =	sld [smem:$0x3FBA]  }
0x3d: {  	_ =	shalt  }
0x3e: {  	_ =	shalt  }
0x3f: {  	_ =	shalt  }
0x40: {  	_ =	shalt  }
0x41: {  	_ =	shalt  }
0x42: {  	_ =	shalt  }
0x43: {  	_ =	shalt  }
0x44: {  	_ =	shalt  }
0x45: {  	_ =	shalt  }
0x46: {  	_ =	shalt  }
0x47: {  	_ =	shalt  }
0x48: {  	_ =	shalt  }
0x49: {  	_ =	shalt  }
0x4a: {  	_ =	shalt  }
0x4b: {  	_ =	shalt  }
0x4c: {  	_ =	shalt  }
0x4d: {  	_ =	shalt  }
0x4e: {  	_ =	shalt  }
0x4f: {  	_ =	shalt  }
0x50: {  	_ =	shalt  }
0x51: {  	_ =	shalt  }
0x52: {  	_ =	shalt  }
0x53: {  	_ =	shalt  }
0x54: {  	_ =	shalt  }
0x55: {  	_ =	shalt  }
0x56: {  	_ =	shalt  }
0x57: {  	_ =	shalt  }
0x58: {  	_ =	shalt  }
0x59: {  	_ =	shalt  }
0x5a: {  	_ =	shalt  }
0x5b: {  	_ =	shalt  }
0x5c: {  	_ =	shalt  }
0x5d: {  	_ =	shalt  }
0x5e: {  	_ =	shalt  }
0x5f: {  	_ =	shalt  }
0x60: {  	_ =	shalt  }
0x61: {  	_ =	shalt  }
0x62: {  	_ =	shalt  }
0x63: {  	_ =	shalt  }
0x64: {  	_ =	shalt  }
0x65: {  	_ =	shalt  }
0x66: {  	_ =	shalt  }
0x67: {  	_ =	shalt  }
0x68: {  	_ =	shalt  }
0x69: {  	_ =	shalt  }
0x6a: {  	_ =	shalt  }
0x6b: {  	_ =	shalt  }
0x6c: {  	_ =	shalt  }
0x6d: {  	_ =	shalt  }
0x6e: {  	_ =	shalt  }
0x6f: {  	_ =	shalt  }
0x70: {  	_ =	shalt  }
0x71: {  	_ =	shalt  }
0x72: {  	_ =	shalt  }
0x73: {  	_ =	shalt  }
0x74: {  	_ =	shalt  }
0x75: {  	_ =	shalt  }
0x76: {  	_ =	shalt  }
0x77: {  	_ =	shalt  }
0x78: {  	_ =	shalt  }
0x79: {  	_ =	shalt  }
0x7a: {  	_ =	shalt  }
0x7b: {  	_ =	shalt  }
0x7c: {  	_ =	shalt  }
0x7d: {  	_ =	shalt  }
0x7e: {  	_ =	shalt  }
0x7f: {  	_ =	shalt  }
0x80: {  	_ =	shalt  }
0x81: {  	_ =	shalt  }
0x82: {  	_ =	shalt  }
0x83: {  	_ =	shalt  }
0x84: {  	_ =	shalt  }
0x85: {  	_ =	shalt  }
0x86: {  	_ =	shalt  }
0x87: {  	_ =	shalt  }
.Lfunc_end0:
.L_simem_size_0:
called_computation.1_lowered:
.L_overlay_start_0:
0x88: {  	s2 =	sld [smem:$0x3FD9]  }
0x89: {  	s3 =	sld [smem:$0x3FFE];
	_ =	sdelay $0x1  }
0x8a: {  	s1 =	srdreg.scid  }
0x8b: {  	s0 =	sand.u32 $0x1, s1  }
0x8c: {  	s17 =	sshll.u32 s0, $0xA;
	s2 =	sadd.s32 s3, s2  }
0x8d: {  	s2 =	sadd.s32 s2, s17  }
0x8e: {  	[smem:$0x3FC6] =	sst s2  }
0x8f: {  	_ = 	snop  }
0x90: {  	s2 =	sld [smem:$0x3FD0];
	(tm) =	ssettm $0x1  }
0x91: {  	s18 =	sld [smem:$0x3FFB];
	_ =	sdelay $0x3  }
0x92: {  	_ =	strace s18  }
0x93: {  	s3 =	sld [smem:$0x3FFC];
	_ =	sdelay $0x3  }
0x94: {  	_ =	strace s3  }
0x95: {  	s3 =	sld [smem:$0x3FFD];
	_ =	sdelay $0x3  }
0x96: {  	_ =	strace s3  }
0x97: {  	_ =	strace $0x8FFFFFFF  }
0x98: {  	s19 =	sld [smem:$0x3FDB];
	_ =	sdelay $0x1  }
0x99: {  	s4 =	simm.s32 $_scs_section_size  }
0x9a: {  	s5 =	simm.s32 $_size__tile_overlayer_lowered;
	s6 =	simm.s32 $_tile_overlayer_lowered  }
0x9b: {  	s22 =	simm.s32 $0x1BFF;
	s21 =	sshll.u32 s6, $0x1;
	s3 =	sadd.s32 s4, s19  }
0x9c: {  	s7 =	simm.s32 $0x0;
	s20 =	sshll.u32 s5, $0x1;
	s5 =	sadd.s32 s21, s3  }
0x9d: {  	[timem:s7], [sflag:s22] =	dma.local [hbm:s5], s20  }
0x9e: {  	_ =	swait.ge [sflag:s22], s20  }
0x9f: {  	s4 =	ssub.s32 $0x0, s20;
	[sflag:s22] =	ssyncset.done $0x0  }
0xa0: {  	[sflag:s22] =	ssyncadd.s32 s4;
	_ =	sdelay $0x1  }
0xa1: {  	s23 =	simm.s32 $0x1B8B  }
0xa2: {  	_ =	swait.ge [sflag:s23], $0x1  }
0xa3: {  	[sflag:s23] =	ssyncset.done $0x0  }
0xa4: {  	s25 =	simm.s32 $0x1B8E;
	s24 =	sld [smem:$0x3FFE];
	[sflag:s23] =	ssyncadd.s32 $0xFFFFFFFF  }
0xa5: {  	s26 =	simm.s32 $execute0_lowered;
	[smem:$0x3FD2] =	sst s25  }
0xa6: {  	s5 =	sshll.u32 s26, $0x1;
	_ =	strace $0x80000046;
	[dreg:$0x1] =	wrdreg $0xFFFFFFFF  }
0xa7: {  	s28 =	simm.s32 $_size_execute0_lowered;
	s3 =	sadd.s32 s3, s5;
	[dreg:$0x0] =	wrdreg $0x0  }
0xa8: {  	s5 =	sshll.u32 s28, $0x1;
	[dreg:$0x2] =	wrdreg s3  }
0xa9: {  	[dreg:$0x3] =	wrdreg s5  }
0xaa: {  	[dreg:$0x4] =	wrdreg $0xC0  }
0xab: {  	_ =	task [dreg:s7], $0x5FFFF  }
0xac: {  	[dreg:$0x1] =	wrdreg $0xFFFFFFFF  }
0xad: {  	[dreg:$0x0] =	wrdreg $0x60  }
0xae: {  	[dreg:$0x2] =	wrdreg s2  }
0xaf: {  	[dreg:$0x3] =	wrdreg s24  }
0xb0: {  	[dreg:$0x4] =	wrdreg $0x9  }
0xb1: {  	_ =	task.clear_ibuf [dreg:s7], $0x5FFFF;
	_ =	strace $0x90000046  }
0xb2: {  	s29 =	simm.s32 $0x9;
	_ =	strace $0x80000048  }
0xb3: {  	_ =	swait.ge [sflag:s29], $0x1  }
0xb4: {  	[sflag:s29] =	ssyncadd.s32 $0xFFFFFFFF  }
0xb5: {  	_ =	strace $0x90000048  }
0xb6: {  	_ =	sfence  }
0xb7: {  	s30 =	sld [smem:$0x0];
	_ =	sdelay $0x2  }
0xb8: {  	s31 =	sshll.u32 s1, $0xD;
	s1 =	sshrl.u32 s1, $0x2  }
0xb9: {  	s3 =	sand.u32 $0x4000, s31;
	s1 =	sadd.s32 s1, s30  }
0xba: {  	s0 =	sor.u32 s3, s0;
	s1 =	sshll.u32 s1, $0x11  }
0xbb: {  	s0 =	sor.u32 s1, s0  }
0xbc: {  	s0 =	sadd.s32 $0x8F2B, s0  }
0xbd: {  	[sflag:s0] =	ssyncadd.remote.s32 $0x1  }
0xbe: {  	_ =	sfence.sel $0xFFFF  }
0xbf: {  	[dreg:$0x0] =	wrdreg $0xFFFFFFFF;
	(pc) =	sbr.abs _section_cstart, $3  }
0xc0: {  	[dreg:$0x1] =	wrdreg $0xFFFFFFFF  }
0xc1: {  	_ =	task.clear_ibuf [dreg:s7], $0x2FFFF;
	_ =	strace $0x9FFFFFFF  }
0xc2: {  	(tm) =	ssettm $0x7FFFFFFF  }
0xc3: {  	_ =	shalt  }
tec
execute0_lowered:
.L_overlay_start_1:
0x0: {  	(tag) =	ssettag $0x1  }
0x1: {  	s4 =	rddreg [dreg:$0x0]  }
0x2: {  	s2 =	rddreg [dreg:$0x1];
	s3 =	srdreg.scid  }
0x3: {  	s1 =	simm.s32 $0x0;
	s0 =	stileid.u32;
	s12 =	simm.s32 $0x4000  }
0x4: {  	s13 =	simm.s32 $0x8000;
	s15 =	simm.s32 $0xC000;
	s17 =	simm.s32 $0x10000  }
0x5: {  	s18 =	simm.s32 $0x2;
	s19 =	simm.s32 $0x3;
	s20 =	simm.s32 $0x4  }
0x6: {  	s21 =	simm.s32 $0x5;
	s22 =	simm.s32 $0x6;
	s23 =	simm.s32 $0x7  }
0x7: {  	s24 =	simm.s32 $0x8;
	s25 =	simm.s32 $0x0;
	s5 =	sand.u32 $0x1, s3  }
0x8: {  	[smem:$0x7FF] =	sst s1;
	s3 =	sadd.s32 $0xF43200, s2;
	s8 =	sadd.s32 $0xE00, s2  }
0x9: {  	s31 =	sshll.u32 s0, $0xE;
	s9 =	sshll.u32 s0, $0x13;
	s6 =	ssub.s32 $0x2, s5  }
0xa: {  	_ =	strace $0x80000047;
	s10 =	sshll.u32 s5, $0x12;
	s5 =	sshll.u32 s5, $0xD  }
.Ltmp0:
0xb: {  	s7 =	sshrl.u32 s6, $0x1;
	s11 =	sor.u32 s10, s9;
	(pc) =	sbr.rel .LBB2_1-.Ltmp0, $4  }
0xc: {  	s9 =	sadd.s32 s9, s8;
	s6 =	ssub.s32 s6, s7;
	s7 =	sadd.s32 s31, s4  }
0xd: {  	s11 =	sadd.s32 s11, s8;
	s9 =	sadd.s32 s10, s9;
	s10 =	simm.s32 $0x1  }
0xe: {  	s4 =	smax.u32 s6, $0x1;
	s5 =	sadd.s32 s5, s7;
	s6 =	sadd.s32 $0x1800, s11  }
0xf: {  	s7 =	sadd.s32 $0x1000, s11;
	s8 =	sadd.s32 $0x800, s11;
	s11 =	simm.s32 $0x80  }
.LBB2_8:
0x10: {  	_ =	swait.ge [sflag:s21], $0x4000  }
0x11: {  	[sflag:s21] =	ssyncset.done $0x0  }
0x12: {  	[sflag:s21] =	ssyncadd.s32 $0xFFFFC000  }
0x13: {  	_ =	swait.ge [sflag:s22], $0x4000  }
0x14: {  	[sflag:s22] =	ssyncset.done $0x0  }
0x15: {  	s25 =	sadd.s32 $0x1, s25;
	[sflag:s22] =	ssyncadd.s32 $0xFFFFC000  }
0x16: {  	p0 =	sne.s32 s25, s4;
	_ =	swait.ge [sflag:s23], $0x4000  }
.Ltmp1:
0x17: {  	[sflag:s23] =	ssyncset.done $0x0;
	(pc) =	sbr.rel @!p0 .LBB2_9-.Ltmp1, $4  }
0x18: {  	[sflag:s23] =	ssyncadd.s32 $0xFFFFC000  }
0x19: {  	_ =	swait.ge [sflag:s24], $0x4000  }
0x1a: {  	[sflag:s24] =	ssyncset.done $0x0  }
0x1b: {  	[sflag:s24] =	ssyncadd.s32 $0xFFFFC000  }
.LBB2_1:
0x1c: {  	s26 =	simm.s32 $0x0;
	s28 =	simm.s32 $0x0  }
.LBB2_2:
0x1d: {  	p0 =	sne.s32 s28, $0x1FF0  }
.Ltmp2:
0x1e: {  	_ = 	snop;
	(pc) =	sbr.rel @p0 .LBB2_2-.Ltmp2, $4  }
0x1f: {  	_ = 	snop  }
0x20: {  	s29 =	sadd.s32 s28, s5  }
0x21: {  	[tilespmem:s26], [sflag:$0x1] =	stream.linear.gather [hbm4b:s29+s1], $0x20, $0x38;
	[tilespmem:$0x14000] =	vst v63  }
0x22: {  	s28 =	sadd.s32 $0x10, s28;
	s26 =	sadd.s32 $0x20, s26  }
0x23: {  	_ =	swait.ge [sflag:s10], $0x20  }
0x24: {  	s26 =	simm.s32 $0x1FF;
	[sflag:s10] =	ssyncset.done $0x0  }
.LBB2_4:
0x25: {  	p0 =	sne.s32 s26, $0x1;
	s26 =	sadd.s32 $0xFFFFFFFF, s26;
	[sflag:s10] =	ssyncadd.s32 $0xFFFFFFE0  }
.Ltmp3:
0x26: {  	(pc) =	sbr.rel @p0 .LBB2_4-.Ltmp3, $3  }
0x27: {  	_ =	sdelay $0x1  }
0x28: {  	_ =	swait.ge [sflag:s10], $0x20  }
0x29: {  	[sflag:s10] =	ssyncset.done $0x0  }
0x2a: {  	[sflag:s10] =	ssyncadd.s32 $0xFFFFFFE0;
	s26 =	simm.s32 $0x0  }
0x2b: {  	[tilespmem:s12], [sflag:$0x1] =	stream.indirect.gather [hbm4b:s3+s11], $0x80, s26, s11, $0xb8;
	[tilespmem:$0x14000] =	vst v63  }
0x2c: {  	_ = 	snop  }
0x2d: {  	[tilespmem:s13], [sflag:$0x2] =	stream.indirect.gather [hbm4b:s3+s11], $0x80, s11, s11, $0xb8;
	[tilespmem:$0x14000] =	vst v63  }
0x2e: {  	s0 =	simm.s32 $0x100;
	s16 =	simm.s32 $0x180;
	s28 =	smov.u32 s9  }
0x2f: {  	[tilespmem:s15], [sflag:$0x3] =	stream.indirect.gather [hbm4b:s3+s11], $0x80, s0, s11, $0xb8;
	[tilespmem:$0x14000] =	vst v63  }
0x30: {  	s29 =	smov.u32 s8;
	s30 =	smov.u32 s7;
	s31 =	smov.u32 s6  }
0x31: {  	[tilespmem:s17], [sflag:$0x4] =	stream.indirect.gather [hbm4b:s3+s11], $0x80, s16, s11, $0xb8;
	[tilespmem:$0x14000] =	vst v63  }
.LBB2_6:
0x32: {  	_ =	swait.ge [sflag:s10], $0x4000  }
0x33: {  	p0 =	seq.s32 s26, $0xF800;
	[sflag:s10] =	ssyncset.done $0x0  }
0x34: {  	s0 =	simm.s32 @!p0 $0x5;
	[sflag:s10] =	ssyncadd.s32 $0xFFFFC000  }
0x35: {  	[hbm4b:s28+s1] =	stream.linear.scatter [tilespmem:s12], [sflag:$0x5], $0x4000, $0x38;
	[tilespmem:$0x14000] =	vst v63  }
0x36: {  	_ =	swait.ge @!p0 [sflag:s0], $0x4000  }
0x37: {  	[sflag:s0] =	ssyncset.done @!p0 $0x0  }
0x38: {  	[sflag:s0] =	ssyncadd.s32 @!p0 $0xFFFFC000;
	s0 =	sshra.s32 @!p0 s26, $0x2  }
0x39: {  	s14 =	simm.s32 @!p0 $0x80;
	s16 =	simm.s32 @!p0 $0x4000;
	s2 =	sadd.s32 @!p0 $0x200, s0  }
0x3a: {  	[tilespmem:s16], [sflag:$0x1] =	stream.indirect.gather @!p0 [hbm4b:s3+s14], $0x80, s2, s14, $0xb8;
	[tilespmem:$0x14000] =	vst v63  }
0x3b: {  	_ =	swait.ge [sflag:s18], $0x4000  }
0x3c: {  	[sflag:s18] =	ssyncset.done $0x0  }
0x3d: {  	s2 =	simm.s32 @!p0 $0x6;
	[sflag:s18] =	ssyncadd.s32 $0xFFFFC000  }
0x3e: {  	[hbm4b:s29+s1] =	stream.linear.scatter [tilespmem:s13], [sflag:$0x6], $0x4000, $0x38;
	[tilespmem:$0x14000] =	vst v63  }
0x3f: {  	_ =	swait.ge @!p0 [sflag:s2], $0x4000  }
0x40: {  	[sflag:s2] =	ssyncset.done @!p0 $0x0  }
0x41: {  	s16 =	simm.s32 @!p0 $0x8000;
	[sflag:s2] =	ssyncadd.s32 @!p0 $0xFFFFC000;
	s2 =	sadd.s32 @!p0 $0x280, s0  }
0x42: {  	[tilespmem:s16], [sflag:$0x2] =	stream.indirect.gather @!p0 [hbm4b:s3+s14], $0x80, s2, s14, $0xb8;
	[tilespmem:$0x14000] =	vst v63  }
0x43: {  	_ =	swait.ge [sflag:s19], $0x4000  }
0x44: {  	[sflag:s19] =	ssyncset.done $0x0  }
0x45: {  	s2 =	simm.s32 @!p0 $0x7;
	[sflag:s19] =	ssyncadd.s32 $0xFFFFC000  }
0x46: {  	[hbm4b:s30+s1] =	stream.linear.scatter [tilespmem:s15], [sflag:$0x7], $0x4000, $0x38;
	[tilespmem:$0x14000] =	vst v63  }
0x47: {  	_ =	swait.ge @!p0 [sflag:s2], $0x4000  }
0x48: {  	[sflag:s2] =	ssyncset.done @!p0 $0x0  }
0x49: {  	s0 =	sadd.s32 @!p0 $0x300, s0;
	[sflag:s2] =	ssyncadd.s32 @!p0 $0xFFFFC000;
	s2 =	simm.s32 @!p0 $0xC000  }
0x4a: {  	[tilespmem:s2], [sflag:$0x3] =	stream.indirect.gather @!p0 [hbm4b:s3+s14], $0x80, s0, s14, $0xb8;
	[tilespmem:$0x14000] =	vst v63  }
.Ltmp4:
0x4b: {  	_ = 	snop;
	(pc) =	sbr.rel @p0 .LBB2_8-.Ltmp4, $4  }
0x4c: {  	_ =	swait.ge [sflag:s20], $0x4000  }
0x4d: {  	[sflag:s20] =	ssyncset.done $0x0  }
0x4e: {  	[sflag:s20] =	ssyncadd.s32 $0xFFFFC000  }
0x4f: {  	[hbm4b:s31+s1] =	stream.linear.scatter [tilespmem:s17], [sflag:$0x8], $0x4000, $0x38;
	[tilespmem:$0x14000] =	vst v63  }
.Ltmp5:
0x50: {  	_ =	swait.ge [sflag:s24], $0x4000;
	(pc) =	sbr.rel .LBB2_6-.Ltmp5, $4  }
0x51: {  	s0 =	sshra.s32 s26, $0x2;
	s26 =	sadd.s32 $0x800, s26;
	s31 =	sadd.s32 $0x2000, s31  }
0x52: {  	s30 =	sadd.s32 $0x2000, s30;
	s29 =	sadd.s32 $0x2000, s29;
	[sflag:s24] =	ssyncset.done $0x0  }
0x53: {  	s28 =	sadd.s32 $0x2000, s28;
	s0 =	sadd.s32 $0x380, s0;
	[sflag:s24] =	ssyncadd.s32 $0xFFFFC000  }
0x54: {  	[tilespmem:s17], [sflag:$0x4] =	stream.indirect.gather [hbm4b:s3+s11], $0x80, s0, s11, $0xb8;
	[tilespmem:$0x14000] =	vst v63  }
.LBB2_9:
0x55: {  	_ =	sfence.sel $0x180000  }
0x56: {  	[bflag:$0x0] =	sbarrier.arrive $0xFFFF  }
0x57: {  	_ =	strace $0x90000047  }
0x58: {  	s0 =	stileid.u32;
	[bflag:$0x2] =	sbarrier.arrive $0xFFFF  }
0x59: {  	p0 =	sne.s32 s0, $0x0;
	s0 =	rddreg [dreg:$0x2]  }
0x5a: {  	s0 =	sadd.s32 @!p0 $0x100000, s0  }
0x5b: {  	[sflag:s0] =	ssyncadd.tile.s32 @!p0 $0x1;
	_ =	shalt  }
.Lfunc_end2:
_tile_overlayer_lowered:
.L_overlay_start_2:
0x5c: {  	(tag) =	ssettag $0x2  }
0x5d: {  	s0 =	rddreg [dreg:$0x0];
	s2 =	stileid.u32  }
0x5e: {  	s1 =	rddreg [dreg:$0x1];
	p0 =	sne.s32 s2, $0x0  }
0x5f: {  	s3 =	rddreg [dreg:$0x2];
	[bflag:$0x3] =	sbarrier.arrive $0xFFFF;
	s2 =	simm.s32 @!p0 $0x1C09  }
0x60: {  	[timem:s3], [sflag:s2] =	dma.local @!p0 [hbm:s0], s1  }
0x61: {  	s0 =	simm.s32 @!p0 $0x9  }
0x62: {  	_ =	swait.ge @!p0 [sflag:s0], s1  }
0x63: {  	s1 =	ssub.s32 @!p0 $0x0, s1;
	[sflag:s0] =	ssyncset.done @!p0 $0x0  }
0x64: {  	[sflag:s0] =	ssyncadd.s32 @!p0 s1  }
0x65: {  	[bflag:$0x3] =	sbarrier.arrive $0xFFFF  }
0x66: {  	_ =	shalt  }

// kernel: sparse-core-data-format-call.cloned.1.call-start
scs
called_computation_lowered:
.L_overlay_start_0:
0x0: {  	s2 =	sld [smem:$0x3FD9]  }
0x1: {  	s3 =	sld [smem:$0x3FFE];
	_ =	sdelay $0x1  }
0x2: {  	s1 =	srdreg.scid  }
0x3: {  	s0 =	sand.u32 $0x1, s1  }
0x4: {  	s18 =	sshll.u32 s0, $0xA;
	s2 =	sadd.s32 s3, s2  }
0x5: {  	s2 =	sadd.s32 s2, s18  }
0x6: {  	[smem:$0x3FC6] =	sst s2  }
0x7: {  	_ = 	snop  }
0x8: {  	s2 =	sld [smem:$0x3FD0];
	(tm) =	ssettm $0x1  }
0x9: {  	s19 =	sld [smem:$0x3FFB];
	_ =	sdelay $0x3  }
0xa: {  	_ =	strace s19  }
0xb: {  	s3 =	sld [smem:$0x3FFC];
	_ =	sdelay $0x3  }
0xc: {  	_ =	strace s3  }
0xd: {  	s3 =	sld [smem:$0x3FFD];
	_ =	sdelay $0x3  }
0xe: {  	_ =	strace s3  }
0xf: {  	_ =	strace $0x8FFFFFFF  }
0x10: {  	s20 =	sld [smem:$0x3FDB];
	_ =	sdelay $0x1  }
0x11: {  	s4 =	simm.s32 $_scs_section_size  }
0x12: {  	s5 =	simm.s32 $_size__tile_overlayer_lowered;
	s6 =	simm.s32 $_tile_overlayer_lowered  }
0x13: {  	s23 =	simm.s32 $0x1BFF;
	s22 =	sshll.u32 s6, $0x1;
	s3 =	sadd.s32 s4, s20  }
0x14: {  	s7 =	simm.s32 $0x0;
	s21 =	sshll.u32 s5, $0x1;
	s5 =	sadd.s32 s22, s3  }
0x15: {  	[timem:s7], [sflag:s23] =	dma.local [hbm:s5], s21  }
0x16: {  	_ =	swait.ge [sflag:s23], s21  }
0x17: {  	s4 =	ssub.s32 $0x0, s21;
	[sflag:s23] =	ssyncset.done $0x0  }
0x18: {  	[sflag:s23] =	ssyncadd.s32 s4;
	_ =	sdelay $0x1  }
0x19: {  	s24 =	simm.s32 $0x1B8B  }
0x1a: {  	_ =	swait.ge [sflag:s24], $0x1  }
0x1b: {  	[sflag:s24] =	ssyncset.done $0x0  }
0x1c: {  	s26 =	simm.s32 $0x1B8E;
	s25 =	sld [smem:$0x3FFE];
	[sflag:s24] =	ssyncadd.s32 $0xFFFFFFFF  }
0x1d: {  	s27 =	simm.s32 $execute0_lowered;
	[smem:$0x3FD2] =	sst s26  }
0x1e: {  	s5 =	sshll.u32 s27, $0x1;
	_ =	strace $0x80000049;
	[dreg:$0x1] =	wrdreg $0xFFFFFFFF  }
0x1f: {  	s28 =	simm.s32 $_size_execute0_lowered;
	s3 =	sadd.s32 s3, s5;
	[dreg:$0x0] =	wrdreg $0x0  }
0x20: {  	s5 =	sshll.u32 s28, $0x1;
	[dreg:$0x2] =	wrdreg s3  }
0x21: {  	[dreg:$0x3] =	wrdreg s5  }
0x22: {  	[dreg:$0x4] =	wrdreg $0xC0  }
0x23: {  	_ =	task [dreg:s7], $0x5FFFF  }
0x24: {  	[dreg:$0x1] =	wrdreg $0xFFFFFFFF  }
0x25: {  	[dreg:$0x0] =	wrdreg $0x60  }
0x26: {  	[dreg:$0x2] =	wrdreg s25  }
0x27: {  	[dreg:$0x3] =	wrdreg s2  }
0x28: {  	[dreg:$0x4] =	wrdreg $0x9  }
0x29: {  	_ =	task.clear_ibuf [dreg:s7], $0x5FFFF;
	_ =	strace $0x90000049  }
0x2a: {  	s29 =	simm.s32 $0x9;
	_ =	strace $0x8000004B  }
0x2b: {  	_ =	swait.ge [sflag:s29], $0x1  }
0x2c: {  	[sflag:s29] =	ssyncadd.s32 $0xFFFFFFFF  }
0x2d: {  	_ =	strace $0x9000004B  }
0x2e: {  	_ =	sfence  }
0x2f: {  	s30 =	sld [smem:$0x0];
	_ =	sdelay $0x2  }
0x30: {  	s31 =	sshll.u32 s1, $0xD;
	s1 =	sshrl.u32 s1, $0x2  }
0x31: {  	s3 =	sand.u32 $0x4000, s31;
	s1 =	sadd.s32 s1, s30  }
0x32: {  	s0 =	sor.u32 s3, s0;
	s1 =	sshll.u32 s1, $0x11  }
0x33: {  	s0 =	sor.u32 s1, s0  }
0x34: {  	s0 =	sadd.s32 $0x8F2B, s0  }
0x35: {  	[sflag:s0] =	ssyncadd.remote.s32 $0x1  }
0x36: {  	_ =	sfence.sel $0xFFFF  }
0x37: {  	[dreg:$0x0] =	wrdreg $0xFFFFFFFF;
	(pc) =	sbr.abs _section_cstart, $3  }
0x38: {  	[dreg:$0x1] =	wrdreg $0xFFFFFFFF  }
0x39: {  	_ =	task.clear_ibuf [dreg:s7], $0x2FFFF;
	_ =	strace $0x9FFFFFFF  }
0x3a: {  	(tm) =	ssettm $0x7FFFFFFF  }
0x3b: {  	_ =	shalt  }
tec
execute0_lowered:
.L_overlay_start_1:
0x0: {  	(tag) =	ssettag $0x1  }
0x1: {  	s0 =	srdreg.scid  }
0x2: {  	s1 =	sshll.u32 s0, $0x4  }
0x3: {  	s0 =	stileid.u32;
	s1 =	sand.u32 $0x10, s1  }
0x4: {  	s1 =	sor.u32 s0, s1  }
0x5: {  	s6 =	rddreg [dreg:$0x0];
	s4 =	simm.s32 $0x1;
	s2 =	sshll.u32 s1, $0x7  }
0x6: {  	s7 =	simm.s32 $0x2;
	s12 =	simm.s32 $0x0;
	s1 =	ssub.s32 $0x4000, s2  }
0x7: {  	s8 =	simm.s32 $0x20000;
	s13 =	simm.s32 $0x0;
	s3 =	sand.u32 $0xF80, s1  }
0x8: {  	s9 =	simm.s32 $0x0;
	s5 =	sshrl.u32 s1, $0xC;
	p0 =	sne.s32 s3, $0x0  }
.Ltmp0:
0x9: {  	s1 =	rddreg [dreg:$0x2];
	s4 =	simm.s32 @!p0 $0x0;
	(pc) =	sbr.rel .LBB1_1-.Ltmp0, $4  }
0xa: {  	s11 =	simm.s32 $0x0;
	s3 =	rddreg [dreg:$0x1];
	s5 =	sadd.s32 s4, s5  }
0xb: {  	_ =	strace $0x8000004A;
	s4 =	simm.s32 $0x1;
	s5 =	smul.u32 $0x1A, s5  }
0xc: {  	s6 =	sadd.s32 $0xE00, s6;
	s10 =	smov.u32 s2;
	[sflag:s4] =	ssyncpa.u1 $0x0  }
0xd: {  	p0 =	por $0x0, $0x0;
	[sflag:s7] =	ssyncpa.u1 $0x0;
	s7 =	sor.u32 $0x1, s5  }
.LBB1_4:
0xe: {  	s16 =	sshll.u32 s13, $0x3;
	s17 =	sand.u32 $0x78, s13  }
0xf: {  	s30 =	sand.u32 $0x1F800, s13;
	s12 =	sshll.u32 s12, $0x11;
	s16 =	sand.u32 $0x3C00, s16  }
0x10: {  	[tilespmem:s15+$0x810 ss:$0x81] =	vst.msk $0xffff, v2;
	s31 =	sand.u32 $0x7, s13;
	s16 =	sor.u32 s17, s16;
	s17 =	sadd.s32 s3, s30  }
0x11: {  	[tilespmem:s15+$0x1020 ss:$0x81] =	vst.msk $0xffff, v0;
	s13 =	sshll.u32 s31, $0x12;
	s12 =	sadd.s32 s12, s17;
	s16 =	sshrl.u32 s16, $0x3  }
0x12: {  	[tilespmem:s15+$0x0 ss:$0x81] =	vst.msk $0xffff, v1;
	s13 =	sor.u32 $0x400, s13;
	s12 =	sadd.s32 s16, s12  }
0x13: {  	[hbm4b:s12+s13] =	stream.strided.scatter [tilespmem:s14], [sflag:$0x2], $0x2000, s8, s13, $0x20;
	[tilespmem:$0x8080] =	vst v63  }
.LBB1_5:
0x14: {  	s14 =	sadd.s32 $0x1, s9  }
0x15: {  	s12 =	sadd.s32 $0x1000, s10;
	s16 =	smov.u32 s10;
	p2 =	sgt.s32 s14, $0x19  }
0x16: {  	s16 =	smov.u32 @p2 s12  }
0x17: {  	s14 =	simm.s32 @p2 $0x0;
	p2 =	sgt.s32 s16, $0x3FFF  }
0x18: {  	s16 =	smov.u32 @p2 s2;
	p2 =	sne.s32 s11, s7  }
.Ltmp1:
0x19: {  	p1 =	slt.u32 s11, $0x2;
	(pc) =	sbr.rel @!p2 .LBB1_6-.Ltmp1, $4  }
0x1a: {  	s15 =	simm.s32 @!p1 $0x2  }
0x1b: {  	s13 =	smov.u32 s10;
	p0 =	por !p0, !p0;
	_ =	swait.ge @!p1 [sflag:s15], $0x2000  }
0x1c: {  	s12 =	smov.u32 s9;
	[sflag:s15] =	ssyncset.done @!p1 $0x0;
	s9 =	smov.u32 s14  }
0x1d: {  	s11 =	sadd.s32 $0x1, s11;
	[sflag:s15] =	ssyncadd.s32 @!p1 $0xFFFFE000;
	s10 =	smov.u32 s16  }
.LBB1_1:
0x1e: {  	p1 =	sge.u32 s11, s5  }
0x1f: {  	s31 =	sadd.s32 $0xFFFFFFFF, s11;
	s14 =	sxor.u32 @!p1 $0xFFFFFFFF, s11  }
0x20: {  	s15 =	sshll.u32 @!p1 s10, $0x9;
	s16 =	sshll.u32 @!p1 s9, $0x4;
	s17 =	simm.s32 @!p1 $0x1000  }
0x21: {  	s14 =	sshll.u32 @!p1 s14, $0xD;
	s16 =	sand.u32 @!p1 $0x1F0, s16;
	s15 =	sadd.s32 @!p1 s6, s15  }
0x22: {  	s14 =	sand.u32 @!p1 $0x2000, s14;
	s15 =	sadd.s32 @!p1 s16, s15;
	s16 =	simm.s32 @!p1 $0x40  }
0x23: {  	[tilespmem:s14], [sflag:$0x1] =	stream.strided.gather @!p1 [hbm4b:s15+s16], $0x2000, s17, s16, $0x38;
	[tilespmem:$0x8080] =	vst v63  }
0x24: {  	p1 =	sge.u32 s31, s5  }
.Ltmp2:
0x25: {  	_ = 	snop;
	(pc) =	sbr.rel @p1 .LBB1_5-.Ltmp2, $1  }
0x26: {  	_ =	sdelay $0x3  }
0x27: {  	s14 =	simm.s32 $0x1  }
0x28: {  	_ =	swait.ge [sflag:s4], $0x2000;
	s14 =	simm.s32 @!p0 $0x0  }
0x29: {  	[sflag:s4] =	ssyncset.done $0x0;
	s15 =	sshll.u32 s14, $0xD  }
0x2a: {  	[sflag:s4] =	ssyncadd.s32 $0xFFFFE000;
	s18 =	sor.u32 $0x20, s15  }
0x2b: {  	s14 =	smul.u32 $0x8100, s14;
	v3 =	vld [tilespmem:s18+$0x10]  }
0x2c: {  	s30 =	sand.u32 $0x1, s11;
	v2 =	vld [tilespmem:s18+$0xFFFFFFF0]  }
0x2d: {  	s15 =	smul.u32 $0x8100, s30;
	s14 =	sshrl.u32 s14, $0x2;
	v0 =	vld [tilespmem:s18+$0x0]  }
0x2e: {  	v1 =	vld [tilespmem:s18+$0xFFFFFFE0];
	s16 =	sor.u32 $0x4000, s14  }
0x2f: {  	s31 =	sshrl.u32 s15, $0x2;
	s15 =	sadd.s32 $0x0, s16  }
0x30: {  	s17 =	simm.s32 $0x4;
	s18 =	sadd.s32 $0x40, s18;
	s14 =	sor.u32 $0x4000, s31;
	[tilespmem:s15+$0x1830 ss:$0x81] =	vst.msk $0xffff, v3  }
.LBB1_3:
0x31: {  	v3 =	vld [tilespmem:s18+$0x10];
	p1 =	sne.s32 s17, $0x1FC;
	[tilespmem:s15+$0x810 ss:$0x81] =	vst.msk $0xffff, v2;
	s19 =	smov.u32 s17;
	s17 =	sadd.s32 $0x4, s17  }
.Ltmp3:
0x32: {  	v2 =	vld [tilespmem:s18+$0xFFFFFFF0];
	[tilespmem:s15+$0x1020 ss:$0x81] =	vst.msk $0xffff, v0;
	(pc) =	sbr.rel @p1 .LBB1_3-.Ltmp3, $4  }
0x33: {  	v0 =	vld [tilespmem:s18+$0x0];
	[tilespmem:s15+$0x0 ss:$0x81] =	vst.msk $0xffff, v1  }
0x34: {  	s15 =	sshra.s32 s19, $0x2;
	v1 =	vld [tilespmem:s18+$0xFFFFFFE0]  }
0x35: {  	s15 =	sadd.s32 s15, s16  }
0x36: {  	s18 =	sadd.s32 $0x40, s18;
	[tilespmem:s15+$0x1830 ss:$0x81] =	vst.msk $0xffff, v3  }
.Ltmp4:
0x37: {  	_ = 	snop;
	(pc) =	sbr.rel .LBB1_4-.Ltmp4, $1  }
0x38: {  	_ =	sdelay $0x3  }
.LBB1_6:
0x39: {  	_ =	sfence.sel $0x180000  }
0x3a: {  	s2 =	simm.s32 $0x1;
	[bflag:$0x0] =	sbarrier.arrive $0xFFFF  }
0x3b: {  	s31 =	simm.s32 $0x2;
	[sflag:s2] =	ssyncpa.u1 $0x1  }
0x3c: {  	[sflag:s31] =	ssyncpa.u1 $0x1  }
0x3d: {  	p0 =	sne.s32 s0, $0x0;
	_ =	strace $0x9000004A  }
0x3e: {  	s0 =	sadd.s32 @!p0 $0x100000, s1;
	[bflag:$0x2] =	sbarrier.arrive $0xFFFF  }
0x3f: {  	[sflag:s0] =	ssyncadd.tile.s32 @!p0 $0x1;
	_ =	shalt  }
.Lfunc_end1:
_tile_overlayer_lowered:
.L_overlay_start_2:
0x40: {  	(tag) =	ssettag $0x2  }
0x41: {  	s0 =	rddreg [dreg:$0x0];
	s2 =	stileid.u32  }
0x42: {  	s1 =	rddreg [dreg:$0x1];
	p0 =	sne.s32 s2, $0x0  }
0x43: {  	s3 =	rddreg [dreg:$0x2];
	[bflag:$0x3] =	sbarrier.arrive $0xFFFF;
	s2 =	simm.s32 @!p0 $0x1C01  }
0x44: {  	[timem:s3], [sflag:s2] =	dma.local @!p0 [hbm:s0], s1  }
0x45: {  	s0 =	simm.s32 @!p0 $0x1  }
0x46: {  	_ =	swait.ge @!p0 [sflag:s0], s1  }
0x47: {  	s1 =	ssub.s32 @!p0 $0x0, s1;
	[sflag:s0] =	ssyncset.done @!p0 $0x0  }
0x48: {  	[sflag:s0] =	ssyncadd.s32 @!p0 s1  }
0x49: {  	[bflag:$0x3] =	sbarrier.arrive $0xFFFF  }
0x4a: {  	_ =	shalt  }

</sc_bundles>
